<compile_context>
chip_gen: v7x
topology: tpu7x:2x2x1
jax: 0.10.2.dev20260603
libtpu: 0.0.44.dev20260713+nightly
codegen_flags: <defaults>
</compile_context>

<pallas_src>
import functools
import math

import jax
import jax.numpy as jnp
from jax import lax
from jax.experimental import pallas as pl
from jax.experimental.pallas import tpu as pltpu
from jax.experimental.pallas import tpu_sc as plsc

B, N = 8, 2048
DP, DM, K, H = 64, 128, 16, 4
HD = DM // H

QA = 512
QB = 256
RB = QB * K


def _stage_a_body(xyzq_ref, xyzt_ref, feat_ref, fc1_ref, fc1b_ref,
                  wq_ref, wk_ref, wv_ref, q_ref, tbl_ref, knn_ref):
    b = pl.program_id(0)
    x = jnp.dot(feat_ref[0], fc1_ref[...]) + fc1b_ref[...]
    q_ref[0] = jnp.dot(x, wq_ref[...])
    xk = jnp.dot(x, wk_ref[...])
    xv = jnp.dot(x, wv_ref[...])

    xq = xyzq_ref[0]
    xt = xyzt_ref[0]
    k16 = lax.bitcast_convert_type(xk.astype(jnp.bfloat16), jnp.uint16)
    v16 = lax.bitcast_convert_type(xv.astype(jnp.bfloat16), jnp.uint16)
    kv = (v16.astype(jnp.uint32) << 16) | k16.astype(jnp.uint32)
    tbl_ref[0] = jnp.concatenate(
        [lax.bitcast_convert_type(kv, jnp.float32), xq,
         jnp.zeros((QA, DM - 3), jnp.float32)], axis=1)

    qn = jnp.sum(xq * xq, axis=1, keepdims=True)
    kn = jnp.sum(xt * xt, axis=0, keepdims=True)
    cross = lax.dot_general(xq, xt, (((1,), (0,)), ((), ())),
                            precision=lax.Precision.DEFAULT)
    d = qn + kn - 2.0 * cross

    iota_f = lax.broadcasted_iota(jnp.int32, (QA, N), 1).astype(jnp.float32)
    cols = []
    for j in range(K):
        cv, ci = d, iota_f
        w = N // 2
        while w >= 128:
            lo_v, hi_v = cv[:, :w], cv[:, w:]
            lo_i, hi_i = ci[:, :w], ci[:, w:]
            take_hi = hi_v < lo_v
            cv = jnp.where(take_hi, hi_v, lo_v)
            ci = jnp.where(take_hi, hi_i, lo_i)
            w //= 2
        m = jnp.min(cv, axis=1, keepdims=True)
        idxf = jnp.min(jnp.where(cv == m, ci, jnp.float32(N)),
                       axis=1, keepdims=True)
        cols.append(idxf)
        d = jnp.where(iota_f == idxf, jnp.float32(jnp.inf), d)
    knn_ref[0] = (jnp.concatenate(cols, axis=1).astype(jnp.int32) + b * N)


def _stage_a(xyz, xyzt, feats, p):
    grid = (B, N // QA)
    out = pl.pallas_call(
        _stage_a_body,
        grid=grid,
        in_specs=[
            pl.BlockSpec((1, QA, 3), lambda b, i: (b, i, 0)),
            pl.BlockSpec((1, 3, N), lambda b, i: (b, 0, 0)),
            pl.BlockSpec((1, QA, DP), lambda b, i: (b, i, 0)),
            pl.BlockSpec((DP, DM), lambda b, i: (0, 0)),
            pl.BlockSpec((1, DM), lambda b, i: (0, 0)),
            pl.BlockSpec((DM, DM), lambda b, i: (0, 0)),
            pl.BlockSpec((DM, DM), lambda b, i: (0, 0)),
            pl.BlockSpec((DM, DM), lambda b, i: (0, 0)),
        ],
        out_specs=[
            pl.BlockSpec((1, QA, DM), lambda b, i: (b, i, 0)),
            pl.BlockSpec((1, QA, 2 * DM), lambda b, i: (b, i, 0)),
            pl.BlockSpec((1, QA, K), lambda b, i: (b, i, 0)),
        ],
        out_shape=[
            jax.ShapeDtypeStruct((B, N, DM), jnp.float32),
            jax.ShapeDtypeStruct((B, N, 2 * DM), jnp.float32),
            jax.ShapeDtypeStruct((B, N, K), jnp.int32),
        ],
    )(xyz, xyzt, feats, p['fc1_w'], p['fc1_b'].reshape(1, DM),
      p['wq'], p['wk'], p['wv'])
    return out


def _sc_gather(tbl2, idx3, nc, nw):
    tot = B * N * K
    per_w = tot // nw
    ch = 128
    nch = per_w // ch

    mesh = plsc.VectorSubcoreMesh(core_axis_name="c", subcore_axis_name="s")

    @functools.partial(
        pl.kernel,
        mesh=mesh,
        out_type=jax.ShapeDtypeStruct((tot, 2 * DM), jnp.float32),
        scratch_types=[
            pltpu.VMEM((nch, ch), jnp.int32),
            pltpu.VMEM((ch, 2 * DM), jnp.float32),
            pltpu.VMEM((ch, 2 * DM), jnp.float32),
            pltpu.SemaphoreType.DMA,
            pltpu.SemaphoreType.DMA,
        ],
    )
    def k(tbl_hbm, idx_hbm, gkv_hbm, idx_v, buf0, buf1, s0, s1):
        wid = lax.axis_index("s") * nc + lax.axis_index("c")
        pltpu.sync_copy(idx_hbm.at[wid], idx_v)
        bufs = (buf0, buf1)
        sems = (s0, s1)
        pltpu.async_copy(tbl_hbm.at[idx_v.at[0]], buf0, s0)

        def body(i, carry):
            for t in range(2):
                c = 2 * i + t
                buf, sem = bufs[t], sems[t]
                nbuf, nsem = bufs[1 - t], sems[1 - t]
                nc_ = c + 1

                @pl.when(nc_ < nch)
                def _():
                    pltpu.async_copy(tbl_hbm.at[idx_v.at[nc_]], nbuf, nsem)

                pltpu.make_async_copy(tbl_hbm.at[idx_v.at[c]], buf, sem).wait()
                row0 = wid * per_w + c * ch
                pltpu.sync_copy(buf, gkv_hbm.at[pl.ds(row0, ch)])
            return carry

        lax.fori_loop(0, nch // 2, body, 0)

    return k(tbl2, idx3)


def _layernorm(x, g, b):
    m = jnp.mean(x, axis=1, keepdims=True)
    c = x - m
    v = jnp.mean(c * c, axis=1, keepdims=True)
    return c * lax.rsqrt(v + 1e-5) * g + b


def _stage_b_body(q_ref, gkv_ref, xyzq_ref, feat_ref,
                  fd1_ref, fd1b_ref, fd2_ref, fd2b_ref,
                  fg1_ref, fg1b_ref, fg2_ref, fg2b_ref,
                  proj_ref, n1g_ref, n1b_ref,
                  fc2_ref, fc2b_ref, n2g_ref, n2b_ref,
                  attn_ref, res_ref):
    u = lax.bitcast_convert_type(gkv_ref[:, :DM], jnp.uint32)
    kk = lax.bitcast_convert_type(u << 16, jnp.float32)
    vv = lax.bitcast_convert_type(u & jnp.uint32(0xFFFF0000), jnp.float32)
    nx = gkv_ref[:, DM:DM + 3]

    xq = xyzq_ref[0]
    rel = jnp.broadcast_to(xq[:, None, :], (QB, K, 3)).reshape(RB, 3) - nx
    p1 = jax.nn.relu(
        lax.dot_general(rel, fd1_ref[...], (((1,), (0,)), ((), ())))
        + fd1b_ref[...])
    pos = jnp.dot(p1, fd2_ref[...]) + fd2b_ref[...]

    qq = jnp.broadcast_to(q_ref[0][:, None, :], (QB, K, DM)).reshape(RB, DM)
    h = qq - kk + pos
    a = jax.nn.relu(jnp.dot(h, fg1_ref[...]) + fg1b_ref[...])
    a = jnp.dot(a, fg2_ref[...]) + fg2b_ref[...]
    a = a * jnp.float32(1.0 / math.sqrt(HD))
    a3 = a.reshape(QB, K, DM)
    m = jnp.max(a3, axis=1, keepdims=True)
    e = jnp.exp(a3 - m)
    s = jnp.sum(e, axis=1, keepdims=True)
    attn = e / s

    a_t = jnp.transpose(attn.reshape(QB, K * DM), (1, 0)).reshape(K, DM, QB)
    for hh in range(H):
        attn_ref[0, hh] = a_t[:, hh * HD:(hh + 1) * HD, :]

    w = attn * (vv + pos).reshape(QB, K, DM)
    resv = jnp.sum(w, axis=1)
    r1 = _layernorm(jnp.dot(resv, proj_ref[...]), n1g_ref[...], n1b_ref[...])
    r2 = jnp.dot(r1, fc2_ref[...]) + fc2b_ref[...]
    r2 = _layernorm(r2, n2g_ref[...], n2b_ref[...]) + feat_ref[0]
    res_ref[0] = jnp.transpose(r2, (1, 0))


def _stage_b(q, gkv, xyz, feats, wp):
    grid = (B, N // QB)
    nb = N // QB
    full = lambda r, c: pl.BlockSpec((r, c), lambda b, i: (0, 0))
    out = pl.pallas_call(
        _stage_b_body,
        grid=grid,
        in_specs=[
            pl.BlockSpec((1, QB, DM), lambda b, i: (b, i, 0)),
            pl.BlockSpec((RB, 2 * DM), lambda b, i: (b * nb + i, 0)),
            pl.BlockSpec((1, QB, 3), lambda b, i: (b, i, 0)),
            pl.BlockSpec((1, QB, DP), lambda b, i: (b, i, 0)),
            full(3, DM), full(1, DM), full(DM, DM), full(1, DM),
            full(DM, DM), full(1, DM), full(DM, DM), full(1, DM),
            full(DM, DM), full(1, DM), full(1, DM),
            full(DM, DP), full(1, DP), full(1, DP), full(1, DP),
        ],
        out_specs=[
            pl.BlockSpec((1, H, K, HD, QB), lambda b, i: (b, 0, 0, 0, i)),
            pl.BlockSpec((1, DP, QB), lambda b, i: (b, 0, i)),
        ],
        out_shape=[
            jax.ShapeDtypeStruct((B, H, K, HD, N), jnp.float32),
            jax.ShapeDtypeStruct((B, DP, N), jnp.float32),
        ],
    )(q, gkv, xyz, feats, *wp)
    return out


def kernel(xyz, features, params):
    p = params
    xyzt = xyz.transpose(0, 2, 1)
    q, tbl, knn = _stage_a(xyz, xyzt, features, p)

    info = plsc.get_sparse_core_info()
    nc, ns = info.num_cores, info.num_subcores
    nw = nc * ns
    tbl2 = tbl.reshape(B * N, 2 * DM)
    idx3 = knn.reshape(nw, (B * N * K) // (nw * 128), 128)
    gkv = _sc_gather(tbl2, idx3, nc, nw)

    z = jnp.zeros((HD, HD), jnp.float32)
    def bd(w):
        rows = []
        for i in range(H):
            rows.append(jnp.concatenate(
                [w if i == j else z for j in range(H)], axis=1))
        return jnp.concatenate(rows, axis=0)
    wp = (
        p['fd1_w'], p['fd1_b'].reshape(1, DM), p['fd2_w'],
        p['fd2_b'].reshape(1, DM),
        bd(p['fg1_w']), jnp.tile(p['fg1_b'], H).reshape(1, DM),
        bd(p['fg2_w']), jnp.tile(p['fg2_b'], H).reshape(1, DM),
        p['proj'], p['n1_g'].reshape(1, DM), p['n1_b'].reshape(1, DM),
        p['fc2_w'], p['fc2_b'].reshape(1, DP),
        p['n2_g'].reshape(1, DP), p['n2_b'].reshape(1, DP),
    )
    attn5, res_t = _stage_b(q, gkv, xyz, features, wp)
    attn = attn5.transpose(0, 1, 4, 2, 3).reshape(B * H, N, K, HD)
    res = res_t.transpose(0, 2, 1)
    return res, attn

# --- scband reference (transcript-rebuilt; emitter-appended) ---
"""Pipeline reference for scband-mul-head-transformer-layer-35802847379558 (READ-ONLY COPY).

The authoritative reference and input builder live on the scoring server;
editing this copy changes nothing except your own understanding.
"""

import jax, jax.numpy as jnp
import numpy as np

B, N = 8, 2048
D_POINTS, D_MODEL, K, HEADS = 64, 128, 16, 4
HD = D_MODEL // HEADS


def _init_params(key):
    ks = jax.random.split(key, 10)
    def lin(k, i, o):
        return jax.random.normal(k, (i, o), jnp.float32) * (1.0 / np.sqrt(i))
    p = {}
    p['fc1_w'] = lin(ks[0], D_POINTS, D_MODEL); p['fc1_b'] = jnp.zeros((D_MODEL,), jnp.float32)
    p['fc2_w'] = lin(ks[1], D_MODEL, D_POINTS); p['fc2_b'] = jnp.zeros((D_POINTS,), jnp.float32)
    p['fd1_w'] = lin(ks[2], 3, D_MODEL);        p['fd1_b'] = jnp.zeros((D_MODEL,), jnp.float32)
    p['fd2_w'] = lin(ks[3], D_MODEL, D_MODEL);  p['fd2_b'] = jnp.zeros((D_MODEL,), jnp.float32)
    p['fg1_w'] = lin(ks[4], HD, HD);            p['fg1_b'] = jnp.zeros((HD,), jnp.float32)
    p['fg2_w'] = lin(ks[5], HD, HD);            p['fg2_b'] = jnp.zeros((HD,), jnp.float32)
    p['wq'] = lin(ks[6], D_MODEL, D_MODEL)
    p['wk'] = lin(ks[7], D_MODEL, D_MODEL)
    p['wv'] = lin(ks[8], D_MODEL, D_MODEL)
    p['proj'] = lin(ks[9], D_MODEL, D_MODEL)
    p['n1_g'] = jnp.ones((D_MODEL,), jnp.float32); p['n1_b'] = jnp.zeros((D_MODEL,), jnp.float32)
    p['n2_g'] = jnp.ones((D_POINTS,), jnp.float32); p['n2_b'] = jnp.zeros((D_POINTS,), jnp.float32)
    return p


def setup_inputs(seed: int = 0) -> dict:
    key = jax.random.key(seed)
    k1, k2, k3 = jax.random.split(key, 3)
    xyz = jax.random.normal(k1, (B, N, 3), jnp.float32)
    features = jax.random.normal(k2, (B, N, D_POINTS), jnp.float32)
    params = _init_params(k3)
    return {'xyz': xyz, 'features': features, 'params': params}


def _square_distance(src, dst):
    return (jnp.sum(src ** 2, -1)[..., :, None]
            + jnp.sum(dst ** 2, -1)[..., None, :]
            - 2.0 * jnp.einsum('bnc,bmc->bnm', src, dst))


def _index_points(points, idx):
    b = jnp.arange(points.shape[0])[:, None, None]
    return points[b, idx]


def _layernorm(x, g, b, eps=1e-5):
    m = jnp.mean(x, -1, keepdims=True)
    v = jnp.var(x, -1, keepdims=True)
    return (x - m) / jnp.sqrt(v + eps) * g + b


def _forward(xyz, features, p):
    dists = _square_distance(xyz, xyz)
    knn_idx = jnp.argsort(dists, axis=-1)[:, :, :K]
    knn_xyz = _index_points(xyz, knn_idx)
    pre = features
    x = features @ p['fc1_w'] + p['fc1_b']
    Bv, Nv, C = x.shape
    q = x @ p['wq']
    kk = _index_points(x @ p['wk'], knn_idx)
    vv = _index_points(x @ p['wv'], knn_idx)
    query = q.reshape(Bv, Nv, HEADS, HD).transpose(0, 2, 1, 3).reshape(Bv * HEADS, Nv, HD)
    rel = xyz[:, :, None, :] - knn_xyz
    pos = jax.nn.relu(rel @ p['fd1_w'] + p['fd1_b']) @ p['fd2_w'] + p['fd2_b']
    def split(t):
        return t.reshape(Bv, Nv, K, HEADS, HD).transpose(0, 3, 1, 2, 4).reshape(Bv * HEADS, Nv, K, HD)
    pos, kk, vv = split(pos), split(kk), split(vv)
    h = query[:, :, None, :] - kk + pos
    attn = jax.nn.relu(h @ p['fg1_w'] + p['fg1_b']) @ p['fg2_w'] + p['fg2_b']
    attn = jax.nn.softmax(attn / np.sqrt(HD), axis=-2)
    res = jnp.einsum('bmnf,bmnf->bmf', attn, vv + pos)
    res = res.transpose(0, 2, 1).reshape(Bv, C, Nv).transpose(0, 2, 1)
    res = _layernorm(res @ p['proj'], p['n1_g'], p['n1_b'])
    res = _layernorm(res @ p['fc2_w'] + p['fc2_b'], p['n2_g'], p['n2_b']) + pre
    return res, attn


def reference(xyz, features, params):
    return _forward(xyz, features, params)

if __name__ == "__main__":
    import jax
    _d = setup_inputs()
    print(jax.jit(kernel)(*tuple(_d.values())))

</pallas_src>

<mosaic_0001>
#map = affine_map<(d0, d1) -> (0, 0)>
#map1 = affine_map<(d0, d1) -> (0, 0, 0)>
module attributes {stable_mosaic.version = 14 : i64} {
  func.func @k(%arg0: i32, %arg1: i32, %arg2: memref<16384x256xf32, #tpu.memory_space<hbm>>, %arg3: memref<32x64x128xi32, #tpu.memory_space<hbm>>, %arg4: memref<262144x256xf32, #tpu.memory_space<hbm>>, %arg5: memref<64x128xi32, #tpu.memory_space<vmem>>, %arg6: memref<128x256xf32, #tpu.memory_space<vmem>>, %arg7: memref<128x256xf32, #tpu.memory_space<vmem>>, %arg8: memref<!tpu.dma_semaphore, #tpu.memory_space<semaphore_mem>>, %arg9: memref<!tpu.dma_semaphore, #tpu.memory_space<semaphore_mem>>) attributes {dimension_semantics = [#tpu.dimension_semantics<core_parallel>, #tpu.dimension_semantics<subcore_parallel>], iteration_bounds = array<i64: 2, 16>, scalar_prefetch = 0 : i64, scratch_operands = 5 : i64, tpu.core_type = #tpu.core_type<sc_vector_subcore>, window_params = [{transform_indices = #map}, {transform_indices = #map1}, {transform_indices = #map}]} {
    %mul3A = arith.constant 2 : i32
    %mul3A_0 = arith.muli %arg1, %mul3A : i32
    %add3A = arith.addi %mul3A_0, %arg0 : i32
    "tpu.region"() ({
      %run_scoped3A = tpu.sem_alloc : memref<!tpu.dma_semaphore, #tpu.memory_space<semaphore_mem>>
      %dma_start3A_12 = arith.constant 0 : i32
      %dma_start3A_13 = arith.constant 0 : i32
      %dma_start3A_14 = tpu.memref_slice %arg3[%add3A, %dma_start3A_12, %dma_start3A_13] : memref<32x64x128xi32, #tpu.memory_space<hbm>> -> memref<1x64x128xi32, #tpu.memory_space<hbm>>
      %dma_start3A_15 = tpu.memref_squeeze %dma_start3A_14 : memref<1x64x128xi32, #tpu.memory_space<hbm>> -> memref<64x128xi32, #tpu.memory_space<hbm>>
      %dma_start3A_16 = arith.constant 0 : i32
      %dma_start3A_17 = arith.constant 0 : i32
      %dma_start3A_18 = tpu.memref_slice %arg3[%add3A, %dma_start3A_16, %dma_start3A_17] : memref<32x64x128xi32, #tpu.memory_space<hbm>> -> memref<1x64x128xi32, #tpu.memory_space<hbm>>
      %dma_start3A_19 = tpu.memref_squeeze %dma_start3A_18 : memref<1x64x128xi32, #tpu.memory_space<hbm>> -> memref<64x128xi32, #tpu.memory_space<hbm>>
      tpu.enqueue_dma source(%dma_start3A_19 : memref<64x128xi32, #tpu.memory_space<hbm>>) target(%arg5 : memref<64x128xi32, #tpu.memory_space<vmem>>) target_semaphore(%run_scoped3A : memref<!tpu.dma_semaphore, #tpu.memory_space<semaphore_mem>>)
      %dma_wait3A = arith.constant 0 : i32
      %dma_wait3A_20 = arith.constant 0 : i32
      %dma_wait3A_21 = tpu.memref_slice %arg3[%add3A, %dma_wait3A, %dma_wait3A_20] : memref<32x64x128xi32, #tpu.memory_space<hbm>> -> memref<1x64x128xi32, #tpu.memory_space<hbm>>
      %dma_wait3A_22 = tpu.memref_squeeze %dma_wait3A_21 : memref<1x64x128xi32, #tpu.memory_space<hbm>> -> memref<64x128xi32, #tpu.memory_space<hbm>>
      %dma_wait3A_23 = arith.constant 0 : i32
      %dma_wait3A_24 = arith.constant 0 : i32
      %dma_wait3A_25 = tpu.memref_slice %arg3[%add3A, %dma_wait3A_23, %dma_wait3A_24] : memref<32x64x128xi32, #tpu.memory_space<hbm>> -> memref<1x64x128xi32, #tpu.memory_space<hbm>>
      %dma_wait3A_26 = tpu.memref_squeeze %dma_wait3A_25 : memref<1x64x128xi32, #tpu.memory_space<hbm>> -> memref<64x128xi32, #tpu.memory_space<hbm>>
      tpu.wait_dma2 semaphore(%run_scoped3A : memref<!tpu.dma_semaphore, #tpu.memory_space<semaphore_mem>>) src(%dma_wait3A_26 : memref<64x128xi32, #tpu.memory_space<hbm>>) dst(%arg5 : memref<64x128xi32, #tpu.memory_space<vmem>>)
      tpu.yield
    }) : () -> ()
    %dma_start3A = arith.constant 0 : i32
    %dma_start3A_1 = arith.constant 0 : i32
    %dma_start3A_2 = tpu.memref_slice %arg5[%dma_start3A, %dma_start3A_1] : memref<64x128xi32, #tpu.memory_space<vmem>> -> memref<1x128xi32, #tpu.memory_space<vmem>>
    %dma_start3A_3 = tpu.memref_squeeze %dma_start3A_2 : memref<1x128xi32, #tpu.memory_space<vmem>> -> memref<128xi32, #tpu.memory_space<vmem>>
    %dma_start3A_4 = arith.constant 0 : i32
    %dma_start3A_5 = arith.constant 0 : i32
    %dma_start3A_6 = tpu.memref_slice %arg2[%dma_start3A_4, %dma_start3A_5] : memref<16384x256xf32, #tpu.memory_space<hbm>> -> memref<16384x256xf32, #tpu.memory_space<hbm>>
    tpu.enqueue_indirect_dma source(%dma_start3A_6 : memref<16384x256xf32, #tpu.memory_space<hbm>>) target(%arg6 : memref<128x256xf32, #tpu.memory_space<vmem>>) offsets(%dma_start3A_3 : memref<128xi32, #tpu.memory_space<vmem>>) semaphore(%arg8 : memref<!tpu.dma_semaphore, #tpu.memory_space<semaphore_mem>>)
    %scan3A = arith.constant 0 : i32
    %scan3A_7 = arith.constant 0 : i32
    %scan3A_8 = arith.constant 32 : i32
    %scan3A_9 = arith.addi %scan3A_7, %scan3A_8 : i32
    %scan3A_10 = arith.constant 1 : i32
    scf.for %scan3A_12 = %scan3A_7 to %scan3A_9 step %scan3A_10  : i32 {
      %mul3A_13 = arith.constant 2 : i32
      %mul3A_14 = arith.muli %mul3A_13, %scan3A_12 : i32
      %add3A_15 = arith.constant 0 : i32
      %add3A_16 = arith.addi %mul3A_14, %add3A_15 : i32
      %add3A_17 = arith.constant 1 : i32
      %add3A_18 = arith.addi %add3A_16, %add3A_17 : i32
      %lt3A = arith.constant 64 : i32
      %lt3A_19 = arith.cmpi slt, %add3A_18, %lt3A : i32
      %convert_element_type3A = arith.extui %lt3A_19 : i1 to i32
      %cond3A = arith.constant 0 : i32
      %cond3A_20 = arith.cmpi ne, %convert_element_type3A, %cond3A : i32
      scf.if %cond3A_20 {
        %dma_start3A_53 = arith.constant 0 : i32
        %dma_start3A_54 = tpu.memref_slice %arg5[%add3A_18, %dma_start3A_53] : memref<64x128xi32, #tpu.memory_space<vmem>> -> memref<1x128xi32, #tpu.memory_space<vmem>>
        %dma_start3A_55 = tpu.memref_squeeze %dma_start3A_54 : memref<1x128xi32, #tpu.memory_space<vmem>> -> memref<128xi32, #tpu.memory_space<vmem>>
        %dma_start3A_56 = arith.constant 0 : i32
        %dma_start3A_57 = arith.constant 0 : i32
        %dma_start3A_58 = tpu.memref_slice %arg2[%dma_start3A_56, %dma_start3A_57] : memref<16384x256xf32, #tpu.memory_space<hbm>> -> memref<16384x256xf32, #tpu.memory_space<hbm>>
        tpu.enqueue_indirect_dma source(%dma_start3A_58 : memref<16384x256xf32, #tpu.memory_space<hbm>>) target(%arg7 : memref<128x256xf32, #tpu.memory_space<vmem>>) offsets(%dma_start3A_55 : memref<128xi32, #tpu.memory_space<vmem>>) semaphore(%arg9 : memref<!tpu.dma_semaphore, #tpu.memory_space<semaphore_mem>>)
      } else {
      }
      %dma_wait3A = arith.constant 0 : i32
      %dma_wait3A_21 = tpu.memref_slice %arg5[%add3A_16, %dma_wait3A] : memref<64x128xi32, #tpu.memory_space<vmem>> -> memref<1x128xi32, #tpu.memory_space<vmem>>
      %dma_wait3A_22 = tpu.memref_squeeze %dma_wait3A_21 : memref<1x128xi32, #tpu.memory_space<vmem>> -> memref<128xi32, #tpu.memory_space<vmem>>
      %dma_wait3A_23 = arith.constant 0 : i32
      %dma_wait3A_24 = arith.constant 0 : i32
      %dma_wait3A_25 = tpu.memref_slice %arg2[%dma_wait3A_23, %dma_wait3A_24] : memref<16384x256xf32, #tpu.memory_space<hbm>> -> memref<16384x256xf32, #tpu.memory_space<hbm>>
      tpu.wait_indirect_dma semaphore(%arg8 : memref<!tpu.dma_semaphore, #tpu.memory_space<semaphore_mem>>) src(%dma_wait3A_25 : memref<16384x256xf32, #tpu.memory_space<hbm>>) dst(%arg6 : memref<128x256xf32, #tpu.memory_space<vmem>>)
      %mul3A_26 = arith.constant 8192 : i32
      %mul3A_27 = arith.muli %add3A, %mul3A_26 : i32
      %mul3A_28 = arith.constant 128 : i32
      %mul3A_29 = arith.muli %add3A_16, %mul3A_28 : i32
      %add3A_30 = arith.addi %mul3A_27, %mul3A_29 : i32
      "tpu.region"() ({
        %run_scoped3A = tpu.sem_alloc : memref<!tpu.dma_semaphore, #tpu.memory_space<semaphore_mem>>
        %dma_start3A_53 = arith.constant 0 : i32
        %dma_start3A_54 = tpu.memref_slice %arg4[%add3A_30, %dma_start3A_53] : memref<262144x256xf32, #tpu.memory_space<hbm>> -> memref<128x256xf32, #tpu.memory_space<hbm>>
        %dma_start3A_55 = arith.constant 0 : i32
        %dma_start3A_56 = tpu.memref_slice %arg4[%add3A_30, %dma_start3A_55] : memref<262144x256xf32, #tpu.memory_space<hbm>> -> memref<128x256xf32, #tpu.memory_space<hbm>>
        tpu.enqueue_dma source(%arg6 : memref<128x256xf32, #tpu.memory_space<vmem>>) target(%dma_start3A_56 : memref<128x256xf32, #tpu.memory_space<hbm>>) target_semaphore(%run_scoped3A : memref<!tpu.dma_semaphore, #tpu.memory_space<semaphore_mem>>)
        %dma_wait3A_57 = arith.constant 0 : i32
        %dma_wait3A_58 = tpu.memref_slice %arg4[%add3A_30, %dma_wait3A_57] : memref<262144x256xf32, #tpu.memory_space<hbm>> -> memref<128x256xf32, #tpu.memory_space<hbm>>
        %dma_wait3A_59 = arith.constant 0 : i32
        %dma_wait3A_60 = tpu.memref_slice %arg4[%add3A_30, %dma_wait3A_59] : memref<262144x256xf32, #tpu.memory_space<hbm>> -> memref<128x256xf32, #tpu.memory_space<hbm>>
        tpu.wait_dma2 semaphore(%run_scoped3A : memref<!tpu.dma_semaphore, #tpu.memory_space<semaphore_mem>>) src(%arg6 : memref<128x256xf32, #tpu.memory_space<vmem>>) dst(%dma_wait3A_60 : memref<128x256xf32, #tpu.memory_space<hbm>>)
        tpu.yield
      }) : () -> ()
      %mul3A_31 = arith.constant 2 : i32
      %mul3A_32 = arith.muli %mul3A_31, %scan3A_12 : i32
      %add3A_33 = arith.constant 1 : i32
      %add3A_34 = arith.addi %mul3A_32, %add3A_33 : i32
      %add3A_35 = arith.constant 1 : i32
      %add3A_36 = arith.addi %add3A_34, %add3A_35 : i32
      %lt3A_37 = arith.constant 64 : i32
      %lt3A_38 = arith.cmpi slt, %add3A_36, %lt3A_37 : i32
      %convert_element_type3A_39 = arith.extui %lt3A_38 : i1 to i32
      %cond3A_40 = arith.constant 0 : i32
      %cond3A_41 = arith.cmpi ne, %convert_element_type3A_39, %cond3A_40 : i32
      scf.if %cond3A_41 {
        %dma_start3A_53 = arith.constant 0 : i32
        %dma_start3A_54 = tpu.memref_slice %arg5[%add3A_36, %dma_start3A_53] : memref<64x128xi32, #tpu.memory_space<vmem>> -> memref<1x128xi32, #tpu.memory_space<vmem>>
        %dma_start3A_55 = tpu.memref_squeeze %dma_start3A_54 : memref<1x128xi32, #tpu.memory_space<vmem>> -> memref<128xi32, #tpu.memory_space<vmem>>
        %dma_start3A_56 = arith.constant 0 : i32
        %dma_start3A_57 = arith.constant 0 : i32
        %dma_start3A_58 = tpu.memref_slice %arg2[%dma_start3A_56, %dma_start3A_57] : memref<16384x256xf32, #tpu.memory_space<hbm>> -> memref<16384x256xf32, #tpu.memory_space<hbm>>
        tpu.enqueue_indirect_dma source(%dma_start3A_58 : memref<16384x256xf32, #tpu.memory_space<hbm>>) target(%arg6 : memref<128x256xf32, #tpu.memory_space<vmem>>) offsets(%dma_start3A_55 : memref<128xi32, #tpu.memory_space<vmem>>) semaphore(%arg8 : memref<!tpu.dma_semaphore, #tpu.memory_space<semaphore_mem>>)
      } else {
      }
      %dma_wait3A_42 = arith.constant 0 : i32
      %dma_wait3A_43 = tpu.memref_slice %arg5[%add3A_34, %dma_wait3A_42] : memref<64x128xi32, #tpu.memory_space<vmem>> -> memref<1x128xi32, #tpu.memory_space<vmem>>
      %dma_wait3A_44 = tpu.memref_squeeze %dma_wait3A_43 : memref<1x128xi32, #tpu.memory_space<vmem>> -> memref<128xi32, #tpu.memory_space<vmem>>
      %dma_wait3A_45 = arith.constant 0 : i32
      %dma_wait3A_46 = arith.constant 0 : i32
      %dma_wait3A_47 = tpu.memref_slice %arg2[%dma_wait3A_45, %dma_wait3A_46] : memref<16384x256xf32, #tpu.memory_space<hbm>> -> memref<16384x256xf32, #tpu.memory_space<hbm>>
      tpu.wait_indirect_dma semaphore(%arg9 : memref<!tpu.dma_semaphore, #tpu.memory_space<semaphore_mem>>) src(%dma_wait3A_47 : memref<16384x256xf32, #tpu.memory_space<hbm>>) dst(%arg7 : memref<128x256xf32, #tpu.memory_space<vmem>>)
      %mul3A_48 = arith.constant 8192 : i32
      %mul3A_49 = arith.muli %add3A, %mul3A_48 : i32
      %mul3A_50 = arith.constant 128 : i32
      %mul3A_51 = arith.muli %add3A_34, %mul3A_50 : i32
      %add3A_52 = arith.addi %mul3A_49, %mul3A_51 : i32
      "tpu.region"() ({
        %run_scoped3A = tpu.sem_alloc : memref<!tpu.dma_semaphore, #tpu.memory_space<semaphore_mem>>
        %dma_start3A_53 = arith.constant 0 : i32
        %dma_start3A_54 = tpu.memref_slice %arg4[%add3A_52, %dma_start3A_53] : memref<262144x256xf32, #tpu.memory_space<hbm>> -> memref<128x256xf32, #tpu.memory_space<hbm>>
        %dma_start3A_55 = arith.constant 0 : i32
        %dma_start3A_56 = tpu.memref_slice %arg4[%add3A_52, %dma_start3A_55] : memref<262144x256xf32, #tpu.memory_space<hbm>> -> memref<128x256xf32, #tpu.memory_space<hbm>>
        tpu.enqueue_dma source(%arg7 : memref<128x256xf32, #tpu.memory_space<vmem>>) target(%dma_start3A_56 : memref<128x256xf32, #tpu.memory_space<hbm>>) target_semaphore(%run_scoped3A : memref<!tpu.dma_semaphore, #tpu.memory_space<semaphore_mem>>)
        %dma_wait3A_57 = arith.constant 0 : i32
        %dma_wait3A_58 = tpu.memref_slice %arg4[%add3A_52, %dma_wait3A_57] : memref<262144x256xf32, #tpu.memory_space<hbm>> -> memref<128x256xf32, #tpu.memory_space<hbm>>
        %dma_wait3A_59 = arith.constant 0 : i32
        %dma_wait3A_60 = tpu.memref_slice %arg4[%add3A_52, %dma_wait3A_59] : memref<262144x256xf32, #tpu.memory_space<hbm>> -> memref<128x256xf32, #tpu.memory_space<hbm>>
        tpu.wait_dma2 semaphore(%run_scoped3A : memref<!tpu.dma_semaphore, #tpu.memory_space<semaphore_mem>>) src(%arg7 : memref<128x256xf32, #tpu.memory_space<vmem>>) dst(%dma_wait3A_60 : memref<128x256xf32, #tpu.memory_space<hbm>>)
        tpu.yield
      }) : () -> ()
    }
    %scan3A_11 = arith.constant 32 : i32
    return
  }
}

module attributes {stable_mosaic.version = 14 : i64} {
  func.func @_stage_a_body(%arg0: i32, %arg1: i32, %arg2: memref<1x512x3xf32, #tpu.memory_space<vmem>>, %arg3: memref<1x3x2048xf32, #tpu.memory_space<vmem>>, %arg4: memref<1x512x64xf32, #tpu.memory_space<vmem>>, %arg5: memref<64x128xf32, #tpu.memory_space<vmem>>, %arg6: memref<1x128xf32, #tpu.memory_space<vmem>>, %arg7: memref<128x128xf32, #tpu.memory_space<vmem>>, %arg8: memref<128x128xf32, #tpu.memory_space<vmem>>, %arg9: memref<128x128xf32, #tpu.memory_space<vmem>>, %arg10: memref<1x512x128xf32, #tpu.memory_space<vmem>>, %arg11: memref<1x512x256xf32, #tpu.memory_space<vmem>>, %arg12: memref<1x512x16xi32, #tpu.memory_space<vmem>>) attributes {dimension_semantics = [#tpu.dimension_semantics<arbitrary>, #tpu.dimension_semantics<arbitrary>], iteration_bounds = array<i64: 8, 4>, scalar_prefetch = 0 : i64, scratch_operands = 0 : i64, tpu.core_type = #tpu.core_type<tc>, window_params = [{transform_indices = @transform_0, window_bounds = array<i64: 1, 512, 3>}, {transform_indices = @transform_1, window_bounds = array<i64: 1, 3, 2048>}, {transform_indices = @transform_2, window_bounds = array<i64: 1, 512, 64>}, {pipeline_mode = #tpu.pipeline_mode<synchronous>, transform_indices = @transform_3, window_bounds = array<i64: 64, 128>}, {pipeline_mode = #tpu.pipeline_mode<synchronous>, transform_indices = @transform_4, window_bounds = array<i64: 1, 128>}, {pipeline_mode = #tpu.pipeline_mode<synchronous>, transform_indices = @transform_5, window_bounds = array<i64: 128, 128>}, {pipeline_mode = #tpu.pipeline_mode<synchronous>, transform_indices = @transform_6, window_bounds = array<i64: 128, 128>}, {pipeline_mode = #tpu.pipeline_mode<synchronous>, transform_indices = @transform_7, window_bounds = array<i64: 128, 128>}, {transform_indices = @transform_8, window_bounds = array<i64: 1, 512, 128>}, {transform_indices = @transform_9, window_bounds = array<i64: 1, 512, 256>}, {transform_indices = @transform_10, window_bounds = array<i64: 1, 512, 16>}]} {
    %get3A = arith.constant 0 : index
    %get3A_0 = arith.constant 0 : index
    %get3A_1 = arith.constant 0 : index
    %get3A_2 = vector.load %arg4[%get3A, %get3A_0, %get3A_1] : memref<1x512x64xf32, #tpu.memory_space<vmem>>, vector<1x512x64xf32>
    %get3A_3 = vector.shape_cast %get3A_2 : vector<1x512x64xf32> to vector<512x64xf32>
    %get3A_4 = arith.constant 0 : index
    %get3A_5 = arith.constant 0 : index
    %get3A_6 = vector.load %arg5[%get3A_4, %get3A_5] : memref<64x128xf32, #tpu.memory_space<vmem>>, vector<64x128xf32>
    %dot_general3A = arith.constant dense<0.000000e+00> : vector<512x128xf32>
    %dot_general3A_7 = tpu.matmul %get3A_3, %get3A_6, %dot_general3A {dimension_numbers = #tpu.dot_dimension_numbers<[1], [0], [0], [1], [0, 0, 1, 1], [], []>, transpose_lhs_hint = false} : vector<512x64xf32>, vector<64x128xf32>, vector<512x128xf32> -> vector<512x128xf32>
    %get3A_8 = arith.constant 0 : index
    %get3A_9 = arith.constant 0 : index
    %get3A_10 = vector.load %arg6[%get3A_8, %get3A_9] : memref<1x128xf32, #tpu.memory_space<vmem>>, vector<1x128xf32>
    %add3A = vector.broadcast %get3A_10 : vector<1x128xf32> to vector<512x128xf32>
    %add3A_11 = arith.addf %dot_general3A_7, %add3A : vector<512x128xf32>
    %get3A_12 = arith.constant 0 : index
    %get3A_13 = arith.constant 0 : index
    %get3A_14 = vector.load %arg7[%get3A_12, %get3A_13] : memref<128x128xf32, #tpu.memory_space<vmem>>, vector<128x128xf32>
    %dot_general3A_15 = arith.constant dense<0.000000e+00> : vector<512x128xf32>
    %dot_general3A_16 = tpu.matmul %add3A_11, %get3A_14, %dot_general3A_15 {dimension_numbers = #tpu.dot_dimension_numbers<[1], [0], [0], [1], [0, 0, 1, 1], [], []>, transpose_lhs_hint = false} : vector<512x128xf32>, vector<128x128xf32>, vector<512x128xf32> -> vector<512x128xf32>
    %swap3A = arith.constant 0 : index
    %swap3A_17 = arith.constant 0 : index
    %swap3A_18 = arith.constant 0 : index
    %swap3A_19 = vector.load %arg10[%swap3A, %swap3A_17, %swap3A_18] : memref<1x512x128xf32, #tpu.memory_space<vmem>>, vector<1x512x128xf32>
    %swap3A_20 = vector.shape_cast %swap3A_19 : vector<1x512x128xf32> to vector<512x128xf32>
    %swap3A_21 = vector.shape_cast %dot_general3A_16 : vector<512x128xf32> to vector<1x512x128xf32>
    tpu.vector_store %arg10[%swap3A, %swap3A_17, %swap3A_18], %swap3A_21 {strides = array<i32>} : memref<1x512x128xf32, #tpu.memory_space<vmem>>, vector<1x512x128xf32>,
    %get3A_22 = arith.constant 0 : index
    %get3A_23 = arith.constant 0 : index
    %get3A_24 = vector.load %arg8[%get3A_22, %get3A_23] : memref<128x128xf32, #tpu.memory_space<vmem>>, vector<128x128xf32>
    %dot_general3A_25 = arith.constant dense<0.000000e+00> : vector<512x128xf32>
    %dot_general3A_26 = tpu.matmul %add3A_11, %get3A_24, %dot_general3A_25 {dimension_numbers = #tpu.dot_dimension_numbers<[1], [0], [0], [1], [0, 0, 1, 1], [], []>, transpose_lhs_hint = false} : vector<512x128xf32>, vector<128x128xf32>, vector<512x128xf32> -> vector<512x128xf32>
    %get3A_27 = arith.constant 0 : index
    %get3A_28 = arith.constant 0 : index
    %get3A_29 = vector.load %arg9[%get3A_27, %get3A_28] : memref<128x128xf32, #tpu.memory_space<vmem>>, vector<128x128xf32>
    %dot_general3A_30 = arith.constant dense<0.000000e+00> : vector<512x128xf32>
    %dot_general3A_31 = tpu.matmul %add3A_11, %get3A_29, %dot_general3A_30 {dimension_numbers = #tpu.dot_dimension_numbers<[1], [0], [0], [1], [0, 0, 1, 1], [], []>, transpose_lhs_hint = false} : vector<512x128xf32>, vector<128x128xf32>, vector<512x128xf32> -> vector<512x128xf32>
    %get3A_32 = arith.constant 0 : index
    %get3A_33 = arith.constant 0 : index
    %get3A_34 = arith.constant 0 : index
    %get3A_35 = vector.load %arg2[%get3A_32, %get3A_33, %get3A_34] : memref<1x512x3xf32, #tpu.memory_space<vmem>>, vector<1x512x3xf32>
    %get3A_36 = vector.shape_cast %get3A_35 : vector<1x512x3xf32> to vector<512x3xf32>
    %get3A_37 = arith.constant 0 : index
    %get3A_38 = arith.constant 0 : index
    %get3A_39 = arith.constant 0 : index
    %get3A_40 = vector.load %arg3[%get3A_37, %get3A_38, %get3A_39] : memref<1x3x2048xf32, #tpu.memory_space<vmem>>, vector<1x3x2048xf32>
    %get3A_41 = vector.shape_cast %get3A_40 : vector<1x3x2048xf32> to vector<3x2048xf32>
    %convert_element_type3A = arith.truncf %dot_general3A_26 : vector<512x128xf32> to vector<512x128xbf16>
    %bitcast_convert_type3A = tpu.bitcast %convert_element_type3A : vector<512x128xbf16> -> vector<512x128xi16>
    %convert_element_type3A_42 = arith.truncf %dot_general3A_31 : vector<512x128xf32> to vector<512x128xbf16>
    %bitcast_convert_type3A_43 = tpu.bitcast %convert_element_type3A_42 : vector<512x128xbf16> -> vector<512x128xi16>
    %convert_element_type3A_44 = arith.extui %bitcast_convert_type3A_43 : vector<512x128xi16> to vector<512x128xi32>
    %shift_left3A = arith.constant 16 : i32
    %shift_left3A_45 = vector.broadcast %shift_left3A : i32 to vector<512x128xi32>
    %shift_left3A_46 = arith.shli %convert_element_type3A_44, %shift_left3A_45 : vector<512x128xi32>
    %convert_element_type3A_47 = arith.extui %bitcast_convert_type3A : vector<512x128xi16> to vector<512x128xi32>
    %or3A = arith.ori %shift_left3A_46, %convert_element_type3A_47 : vector<512x128xi32>
    %bitcast_convert_type3A_48 = tpu.bitcast %or3A : vector<512x128xi32> -> vector<512x128xf32>
    %broadcast_in_dim3A = arith.constant 0.000000e+00 : f32
    %broadcast_in_dim3A_49 = vector.broadcast %broadcast_in_dim3A : f32 to vector<512x125xf32>
    %concatenate3A = tpu.concatenate %bitcast_convert_type3A_48, %get3A_36, %broadcast_in_dim3A_49 in 1 : vector<512x128xf32>, vector<512x3xf32>, vector<512x125xf32> -> vector<512x256xf32>
    %swap3A_50 = arith.constant 0 : index
    %swap3A_51 = arith.constant 0 : index
    %swap3A_52 = arith.constant 0 : index
    %swap3A_53 = vector.load %arg11[%swap3A_50, %swap3A_51, %swap3A_52] : memref<1x512x256xf32, #tpu.memory_space<vmem>>, vector<1x512x256xf32>
    %swap3A_54 = vector.shape_cast %swap3A_53 : vector<1x512x256xf32> to vector<512x256xf32>
    %swap3A_55 = vector.shape_cast %concatenate3A : vector<512x256xf32> to vector<1x512x256xf32>
    tpu.vector_store %arg11[%swap3A_50, %swap3A_51, %swap3A_52], %swap3A_55 {strides = array<i32>} : memref<1x512x256xf32, #tpu.memory_space<vmem>>, vector<1x512x256xf32>,
    %mul3A = arith.mulf %get3A_36, %get3A_36 : vector<512x3xf32>
    %reduce_sum3A = arith.constant dense<0.000000e+00> : vector<512xf32>
    %reduce_sum3A_56 = vector.multi_reduction <add>, %mul3A, %reduce_sum3A [1] : vector<512x3xf32> to vector<512xf32>
    %broadcast_in_dim3A_57 = vector.shape_cast %reduce_sum3A_56 : vector<512xf32> to vector<512x1xf32>
    %mul3A_58 = arith.mulf %get3A_41, %get3A_41 : vector<3x2048xf32>
    %reduce_sum3A_59 = arith.constant dense<0.000000e+00> : vector<2048xf32>
    %reduce_sum3A_60 = vector.multi_reduction <add>, %mul3A_58, %reduce_sum3A_59 [0] : vector<3x2048xf32> to vector<2048xf32>
    %broadcast_in_dim3A_61 = vector.shape_cast %reduce_sum3A_60 : vector<2048xf32> to vector<1x2048xf32>
    %dot_general3A_62 = arith.constant dense<0.000000e+00> : vector<512x2048xf32>
    %dot_general3A_63 = tpu.matmul %get3A_36, %get3A_41, %dot_general3A_62 {dimension_numbers = #tpu.dot_dimension_numbers<[1], [0], [0], [1], [0, 0, 1, 1], [], []>, transpose_lhs_hint = false} : vector<512x3xf32>, vector<3x2048xf32>, vector<512x2048xf32> -> vector<512x2048xf32>
    %add3A_64 = vector.broadcast %broadcast_in_dim3A_57 : vector<512x1xf32> to vector<512x2048xf32>
    %add3A_65 = vector.broadcast %broadcast_in_dim3A_61 : vector<1x2048xf32> to vector<512x2048xf32>
    %add3A_66 = arith.addf %add3A_64, %add3A_65 : vector<512x2048xf32>
    %mul3A_67 = arith.constant 2.000000e+00 : f32
    %mul3A_68 = vector.broadcast %mul3A_67 : f32 to vector<512x2048xf32>
    %mul3A_69 = arith.mulf %mul3A_68, %dot_general3A_63 : vector<512x2048xf32>
    %sub3A = arith.subf %add3A_66, %mul3A_69 : vector<512x2048xf32>
    %iota3A = tpu.iota {dimensions = array<i32: 1>} : vector<512x2048xi32>
    %convert_element_type3A_70 = arith.sitofp %iota3A : vector<512x2048xi32> to vector<512x2048xf32>
    %slice3A = vector.extract_strided_slice %sub3A {offsets = [0, 0], sizes = [512, 1024], strides = [1, 1]} : vector<512x2048xf32> to vector<512x1024xf32>
    %slice3A_71 = vector.extract_strided_slice %sub3A {offsets = [0, 1024], sizes = [512, 1024], strides = [1, 1]} : vector<512x2048xf32> to vector<512x1024xf32>
    %slice3A_72 = vector.extract_strided_slice %convert_element_type3A_70 {offsets = [0, 0], sizes = [512, 1024], strides = [1, 1]} : vector<512x2048xf32> to vector<512x1024xf32>
    %slice3A_73 = vector.extract_strided_slice %convert_element_type3A_70 {offsets = [0, 1024], sizes = [512, 1024], strides = [1, 1]} : vector<512x2048xf32> to vector<512x1024xf32>
    %lt3A = arith.cmpf olt, %slice3A_71, %slice3A : vector<512x1024xf32>
    %select_n3A = arith.select %lt3A, %slice3A_71, %slice3A : vector<512x1024xi1>, vector<512x1024xf32>
    %select_n3A_74 = arith.select %lt3A, %slice3A_73, %slice3A_72 : vector<512x1024xi1>, vector<512x1024xf32>
    %slice3A_75 = vector.extract_strided_slice %select_n3A {offsets = [0, 0], sizes = [512, 512], strides = [1, 1]} : vector<512x1024xf32> to vector<512x512xf32>
    %slice3A_76 = vector.extract_strided_slice %select_n3A {offsets = [0, 512], sizes = [512, 512], strides = [1, 1]} : vector<512x1024xf32> to vector<512x512xf32>
    %slice3A_77 = vector.extract_strided_slice %select_n3A_74 {offsets = [0, 0], sizes = [512, 512], strides = [1, 1]} : vector<512x1024xf32> to vector<512x512xf32>
    %slice3A_78 = vector.extract_strided_slice %select_n3A_74 {offsets = [0, 512], sizes = [512, 512], strides = [1, 1]} : vector<512x1024xf32> to vector<512x512xf32>
    %lt3A_79 = arith.cmpf olt, %slice3A_76, %slice3A_75 : vector<512x512xf32>
    %select_n3A_80 = arith.select %lt3A_79, %slice3A_76, %slice3A_75 : vector<512x512xi1>, vector<512x512xf32>
    %select_n3A_81 = arith.select %lt3A_79, %slice3A_78, %slice3A_77 : vector<512x512xi1>, vector<512x512xf32>
    %slice3A_82 = vector.extract_strided_slice %select_n3A_80 {offsets = [0, 0], sizes = [512, 256], strides = [1, 1]} : vector<512x512xf32> to vector<512x256xf32>
    %slice3A_83 = vector.extract_strided_slice %select_n3A_80 {offsets = [0, 256], sizes = [512, 256], strides = [1, 1]} : vector<512x512xf32> to vector<512x256xf32>
    %slice3A_84 = vector.extract_strided_slice %select_n3A_81 {offsets = [0, 0], sizes = [512, 256], strides = [1, 1]} : vector<512x512xf32> to vector<512x256xf32>
    %slice3A_85 = vector.extract_strided_slice %select_n3A_81 {offsets = [0, 256], sizes = [512, 256], strides = [1, 1]} : vector<512x512xf32> to vector<512x256xf32>
    %lt3A_86 = arith.cmpf olt, %slice3A_83, %slice3A_82 : vector<512x256xf32>
    %select_n3A_87 = arith.select %lt3A_86, %slice3A_83, %slice3A_82 : vector<512x256xi1>, vector<512x256xf32>
    %select_n3A_88 = arith.select %lt3A_86, %slice3A_85, %slice3A_84 : vector<512x256xi1>, vector<512x256xf32>
    %slice3A_89 = vector.extract_strided_slice %select_n3A_87 {offsets = [0, 0], sizes = [512, 128], strides = [1, 1]} : vector<512x256xf32> to vector<512x128xf32>
    %slice3A_90 = vector.extract_strided_slice %select_n3A_87 {offsets = [0, 128], sizes = [512, 128], strides = [1, 1]} : vector<512x256xf32> to vector<512x128xf32>
    %slice3A_91 = vector.extract_strided_slice %select_n3A_88 {offsets = [0, 0], sizes = [512, 128], strides = [1, 1]} : vector<512x256xf32> to vector<512x128xf32>
    %slice3A_92 = vector.extract_strided_slice %select_n3A_88 {offsets = [0, 128], sizes = [512, 128], strides = [1, 1]} : vector<512x256xf32> to vector<512x128xf32>
    %lt3A_93 = arith.cmpf olt, %slice3A_90, %slice3A_89 : vector<512x128xf32>
    %select_n3A_94 = arith.select %lt3A_93, %slice3A_90, %slice3A_89 : vector<512x128xi1>, vector<512x128xf32>
    %select_n3A_95 = arith.select %lt3A_93, %slice3A_92, %slice3A_91 : vector<512x128xi1>, vector<512x128xf32>
    %reduce_min3A = arith.constant dense<0x7F800000> : vector<512xf32>
    %reduce_min3A_96 = vector.multi_reduction <minimumf>, %select_n3A_94, %reduce_min3A [1] : vector<512x128xf32> to vector<512xf32>
    %broadcast_in_dim3A_97 = vector.shape_cast %reduce_min3A_96 : vector<512xf32> to vector<512x1xf32>
    %eq3A = vector.broadcast %broadcast_in_dim3A_97 : vector<512x1xf32> to vector<512x128xf32>
    %eq3A_98 = arith.cmpf oeq, %select_n3A_94, %eq3A : vector<512x128xf32>
    %jit3A = arith.constant 2.048000e+03 : f32
    %broadcast_in_dim3A_99 = vector.broadcast %jit3A : f32 to vector<512x128xf32>
    %select_n3A_100 = arith.select %eq3A_98, %select_n3A_95, %broadcast_in_dim3A_99 : vector<512x128xi1>, vector<512x128xf32>
    %reduce_min3A_101 = arith.constant dense<0x7F800000> : vector<512xf32>
    %reduce_min3A_102 = vector.multi_reduction <minimumf>, %select_n3A_100, %reduce_min3A_101 [1] : vector<512x128xf32> to vector<512xf32>
    %broadcast_in_dim3A_103 = vector.shape_cast %reduce_min3A_102 : vector<512xf32> to vector<512x1xf32>
    %eq3A_104 = vector.broadcast %broadcast_in_dim3A_103 : vector<512x1xf32> to vector<512x2048xf32>
    %eq3A_105 = arith.cmpf oeq, %convert_element_type3A_70, %eq3A_104 : vector<512x2048xf32>
    %jit3A_106 = arith.constant 0x7F800000 : f32
    %broadcast_in_dim3A_107 = vector.broadcast %jit3A_106 : f32 to vector<512x2048xf32>
    %select_n3A_108 = arith.select %eq3A_105, %broadcast_in_dim3A_107, %sub3A : vector<512x2048xi1>, vector<512x2048xf32>
    %slice3A_109 = vector.extract_strided_slice %select_n3A_108 {offsets = [0, 0], sizes = [512, 1024], strides = [1, 1]} : vector<512x2048xf32> to vector<512x1024xf32>
    %slice3A_110 = vector.extract_strided_slice %select_n3A_108 {offsets = [0, 1024], sizes = [512, 1024], strides = [1, 1]} : vector<512x2048xf32> to vector<512x1024xf32>
    %slice3A_111 = vector.extract_strided_slice %convert_element_type3A_70 {offsets = [0, 0], sizes = [512, 1024], strides = [1, 1]} : vector<512x2048xf32> to vector<512x1024xf32>
    %slice3A_112 = vector.extract_strided_slice %convert_element_type3A_70 {offsets = [0, 1024], sizes = [512, 1024], strides = [1, 1]} : vector<512x2048xf32> to vector<512x1024xf32>
    %lt3A_113 = arith.cmpf olt, %slice3A_110, %slice3A_109 : vector<512x1024xf32>
    %select_n3A_114 = arith.select %lt3A_113, %slice3A_110, %slice3A_109 : vector<512x1024xi1>, vector<512x1024xf32>
    %select_n3A_115 = arith.select %lt3A_113, %slice3A_112, %slice3A_111 : vector<512x1024xi1>, vector<512x1024xf32>
    %slice3A_116 = vector.extract_strided_slice %select_n3A_114 {offsets = [0, 0], sizes = [512, 512], strides = [1, 1]} : vector<512x1024xf32> to vector<512x512xf32>
    %slice3A_117 = vector.extract_strided_slice %select_n3A_114 {offsets = [0, 512], sizes = [512, 512], strides = [1, 1]} : vector<512x1024xf32> to vector<512x512xf32>
    %slice3A_118 = vector.extract_strided_slice %select_n3A_115 {offsets = [0, 0], sizes = [512, 512], strides = [1, 1]} : vector<512x1024xf32> to vector<512x512xf32>
    %slice3A_119 = vector.extract_strided_slice %select_n3A_115 {offsets = [0, 512], sizes = [512, 512], strides = [1, 1]} : vector<512x1024xf32> to vector<512x512xf32>
    %lt3A_120 = arith.cmpf olt, %slice3A_117, %slice3A_116 : vector<512x512xf32>
    %select_n3A_121 = arith.select %lt3A_120, %slice3A_117, %slice3A_116 : vector<512x512xi1>, vector<512x512xf32>
    %select_n3A_122 = arith.select %lt3A_120, %slice3A_119, %slice3A_118 : vector<512x512xi1>, vector<512x512xf32>
    %slice3A_123 = vector.extract_strided_slice %select_n3A_121 {offsets = [0, 0], sizes = [512, 256], strides = [1, 1]} : vector<512x512xf32> to vector<512x256xf32>
    %slice3A_124 = vector.extract_strided_slice %select_n3A_121 {offsets = [0, 256], sizes = [512, 256], strides = [1, 1]} : vector<512x512xf32> to vector<512x256xf32>
    %slice3A_125 = vector.extract_strided_slice %select_n3A_122 {offsets = [0, 0], sizes = [512, 256], strides = [1, 1]} : vector<512x512xf32> to vector<512x256xf32>
    %slice3A_126 = vector.extract_strided_slice %select_n3A_122 {offsets = [0, 256], sizes = [512, 256], strides = [1, 1]} : vector<512x512xf32> to vector<512x256xf32>
    %lt3A_127 = arith.cmpf olt, %slice3A_124, %slice3A_123 : vector<512x256xf32>
    %select_n3A_128 = arith.select %lt3A_127, %slice3A_124, %slice3A_123 : vector<512x256xi1>, vector<512x256xf32>
    %select_n3A_129 = arith.select %lt3A_127, %slice3A_126, %slice3A_125 : vector<512x256xi1>, vector<512x256xf32>
    %slice3A_130 = vector.extract_strided_slice %select_n3A_128 {offsets = [0, 0], sizes = [512, 128], strides = [1, 1]} : vector<512x256xf32> to vector<512x128xf32>
    %slice3A_131 = vector.extract_strided_slice %select_n3A_128 {offsets = [0, 128], sizes = [512, 128], strides = [1, 1]} : vector<512x256xf32> to vector<512x128xf32>
    %slice3A_132 = vector.extract_strided_slice %select_n3A_129 {offsets = [0, 0], sizes = [512, 128], strides = [1, 1]} : vector<512x256xf32> to vector<512x128xf32>
    %slice3A_133 = vector.extract_strided_slice %select_n3A_129 {offsets = [0, 128], sizes = [512, 128], strides = [1, 1]} : vector<512x256xf32> to vector<512x128xf32>
    %lt3A_134 = arith.cmpf olt, %slice3A_131, %slice3A_130 : vector<512x128xf32>
    %select_n3A_135 = arith.select %lt3A_134, %slice3A_131, %slice3A_130 : vector<512x128xi1>, vector<512x128xf32>
    %select_n3A_136 = arith.select %lt3A_134, %slice3A_133, %slice3A_132 : vector<512x128xi1>, vector<512x128xf32>
    %reduce_min3A_137 = arith.constant dense<0x7F800000> : vector<512xf32>
    %reduce_min3A_138 = vector.multi_reduction <minimumf>, %select_n3A_135, %reduce_min3A_137 [1] : vector<512x128xf32> to vector<512xf32>
    %broadcast_in_dim3A_139 = vector.shape_cast %reduce_min3A_138 : vector<512xf32> to vector<512x1xf32>
    %eq3A_140 = vector.broadcast %broadcast_in_dim3A_139 : vector<512x1xf32> to vector<512x128xf32>
    %eq3A_141 = arith.cmpf oeq, %select_n3A_135, %eq3A_140 : vector<512x128xf32>
    %jit3A_142 = arith.constant 2.048000e+03 : f32
    %broadcast_in_dim3A_143 = vector.broadcast %jit3A_142 : f32 to vector<512x128xf32>
    %select_n3A_144 = arith.select %eq3A_141, %select_n3A_136, %broadcast_in_dim3A_143 : vector<512x128xi1>, vector<512x128xf32>
    %reduce_min3A_145 = arith.constant dense<0x7F800000> : vector<512xf32>
    %reduce_min3A_146 = vector.multi_reduction <minimumf>, %select_n3A_144, %reduce_min3A_145 [1] : vector<512x128xf32> to vector<512xf32>
    %broadcast_in_dim3A_147 = vector.shape_cast %reduce_min3A_146 : vector<512xf32> to vector<512x1xf32>
    %eq3A_148 = vector.broadcast %broadcast_in_dim3A_147 : vector<512x1xf32> to vector<512x2048xf32>
    %eq3A_149 = arith.cmpf oeq, %convert_element_type3A_70, %eq3A_148 : vector<512x2048xf32>
    %jit3A_150 = arith.constant 0x7F800000 : f32
    %broadcast_in_dim3A_151 = vector.broadcast %jit3A_150 : f32 to vector<512x2048xf32>
    %select_n3A_152 = arith.select %eq3A_149, %broadcast_in_dim3A_151, %select_n3A_108 : vector<512x2048xi1>, vector<512x2048xf32>
    %slice3A_153 = vector.extract_strided_slice %select_n3A_152 {offsets = [0, 0], sizes = [512, 1024], strides = [1, 1]} : vector<512x2048xf32> to vector<512x1024xf32>
    %slice3A_154 = vector.extract_strided_slice %select_n3A_152 {offsets = [0, 1024], sizes = [512, 1024], strides = [1, 1]} : vector<512x2048xf32> to vector<512x1024xf32>
    %slice3A_155 = vector.extract_strided_slice %convert_element_type3A_70 {offsets = [0, 0], sizes = [512, 1024], strides = [1, 1]} : vector<512x2048xf32> to vector<512x1024xf32>
    %slice3A_156 = vector.extract_strided_slice %convert_element_type3A_70 {offsets = [0, 1024], sizes = [512, 1024], strides = [1, 1]} : vector<512x2048xf32> to vector<512x1024xf32>
    %lt3A_157 = arith.cmpf olt, %slice3A_154, %slice3A_153 : vector<512x1024xf32>
    %select_n3A_158 = arith.select %lt3A_157, %slice3A_154, %slice3A_153 : vector<512x1024xi1>, vector<512x1024xf32>
    %select_n3A_159 = arith.select %lt3A_157, %slice3A_156, %slice3A_155 : vector<512x1024xi1>, vector<512x1024xf32>
    %slice3A_160 = vector.extract_strided_slice %select_n3A_158 {offsets = [0, 0], sizes = [512, 512], strides = [1, 1]} : vector<512x1024xf32> to vector<512x512xf32>
    %slice3A_161 = vector.extract_strided_slice %select_n3A_158 {offsets = [0, 512], sizes = [512, 512], strides = [1, 1]} : vector<512x1024xf32> to vector<512x512xf32>
    %slice3A_162 = vector.extract_strided_slice %select_n3A_159 {offsets = [0, 0], sizes = [512, 512], strides = [1, 1]} : vector<512x1024xf32> to vector<512x512xf32>
    %slice3A_163 = vector.extract_strided_slice %select_n3A_159 {offsets = [0, 512], sizes = [512, 512], strides = [1, 1]} : vector<512x1024xf32> to vector<512x512xf32>
    %lt3A_164 = arith.cmpf olt, %slice3A_161, %slice3A_160 : vector<512x512xf32>
    %select_n3A_165 = arith.select %lt3A_164, %slice3A_161, %slice3A_160 : vector<512x512xi1>, vector<512x512xf32>
    %select_n3A_166 = arith.select %lt3A_164, %slice3A_163, %slice3A_162 : vector<512x512xi1>, vector<512x512xf32>
    %slice3A_167 = vector.extract_strided_slice %select_n3A_165 {offsets = [0, 0], sizes = [512, 256], strides = [1, 1]} : vector<512x512xf32> to vector<512x256xf32>
    %slice3A_168 = vector.extract_strided_slice %select_n3A_165 {offsets = [0, 256], sizes = [512, 256], strides = [1, 1]} : vector<512x512xf32> to vector<512x256xf32>
    %slice3A_169 = vector.extract_strided_slice %select_n3A_166 {offsets = [0, 0], sizes = [512, 256], strides = [1, 1]} : vector<512x512xf32> to vector<512x256xf32>
    %slice3A_170 = vector.extract_strided_slice %select_n3A_166 {offsets = [0, 256], sizes = [512, 256], strides = [1, 1]} : vector<512x512xf32> to vector<512x256xf32>
    %lt3A_171 = arith.cmpf olt, %slice3A_168, %slice3A_167 : vector<512x256xf32>
    %select_n3A_172 = arith.select %lt3A_171, %slice3A_168, %slice3A_167 : vector<512x256xi1>, vector<512x256xf32>
    %select_n3A_173 = arith.select %lt3A_171, %slice3A_170, %slice3A_169 : vector<512x256xi1>, vector<512x256xf32>
    %slice3A_174 = vector.extract_strided_slice %select_n3A_172 {offsets = [0, 0], sizes = [512, 128], strides = [1, 1]} : vector<512x256xf32> to vector<512x128xf32>
    %slice3A_175 = vector.extract_strided_slice %select_n3A_172 {offsets = [0, 128], sizes = [512, 128], strides = [1, 1]} : vector<512x256xf32> to vector<512x128xf32>
    %slice3A_176 = vector.extract_strided_slice %select_n3A_173 {offsets = [0, 0], sizes = [512, 128], strides = [1, 1]} : vector<512x256xf32> to vector<512x128xf32>
    %slice3A_177 = vector.extract_strided_slice %select_n3A_173 {offsets = [0, 128], sizes = [512, 128], strides = [1, 1]} : vector<512x256xf32> to vector<512x128xf32>
    %lt3A_178 = arith.cmpf olt, %slice3A_175, %slice3A_174 : vector<512x128xf32>
    %select_n3A_179 = arith.select %lt3A_178, %slice3A_175, %slice3A_174 : vector<512x128xi1>, vector<512x128xf32>
    %select_n3A_180 = arith.select %lt3A_178, %slice3A_177, %slice3A_176 : vector<512x128xi1>, vector<512x128xf32>
    %reduce_min3A_181 = arith.constant dense<0x7F800000> : vector<512xf32>
    %reduce_min3A_182 = vector.multi_reduction <minimumf>, %select_n3A_179, %reduce_min3A_181 [1] : vector<512x128xf32> to vector<512xf32>
    %broadcast_in_dim3A_183 = vector.shape_cast %reduce_min3A_182 : vector<512xf32> to vector<512x1xf32>
    %eq3A_184 = vector.broadcast %broadcast_in_dim3A_183 : vector<512x1xf32> to vector<512x128xf32>
    %eq3A_185 = arith.cmpf oeq, %select_n3A_179, %eq3A_184 : vector<512x128xf32>
    %jit3A_186 = arith.constant 2.048000e+03 : f32
    %broadcast_in_dim3A_187 = vector.broadcast %jit3A_186 : f32 to vector<512x128xf32>
    %select_n3A_188 = arith.select %eq3A_185, %select_n3A_180, %broadcast_in_dim3A_187 : vector<512x128xi1>, vector<512x128xf32>
    %reduce_min3A_189 = arith.constant dense<0x7F800000> : vector<512xf32>
    %reduce_min3A_190 = vector.multi_reduction <minimumf>, %select_n3A_188, %reduce_min3A_189 [1] : vector<512x128xf32> to vector<512xf32>
    %broadcast_in_dim3A_191 = vector.shape_cast %reduce_min3A_190 : vector<512xf32> to vector<512x1xf32>
    %eq3A_192 = vector.broadcast %broadcast_in_dim3A_191 : vector<512x1xf32> to vector<512x2048xf32>
    %eq3A_193 = arith.cmpf oeq, %convert_element_type3A_70, %eq3A_192 : vector<512x2048xf32>
    %jit3A_194 = arith.constant 0x7F800000 : f32
    %broadcast_in_dim3A_195 = vector.broadcast %jit3A_194 : f32 to vector<512x2048xf32>
    %select_n3A_196 = arith.select %eq3A_193, %broadcast_in_dim3A_195, %select_n3A_152 : vector<512x2048xi1>, vector<512x2048xf32>
    %slice3A_197 = vector.extract_strided_slice %select_n3A_196 {offsets = [0, 0], sizes = [512, 1024], strides = [1, 1]} : vector<512x2048xf32> to vector<512x1024xf32>
    %slice3A_198 = vector.extract_strided_slice %select_n3A_196 {offsets = [0, 1024], sizes = [512, 1024], strides = [1, 1]} : vector<512x2048xf32> to vector<512x1024xf32>
    %slice3A_199 = vector.extract_strided_slice %convert_element_type3A_70 {offsets = [0, 0], sizes = [512, 1024], strides = [1, 1]} : vector<512x2048xf32> to vector<512x1024xf32>
    %slice3A_200 = vector.extract_strided_slice %convert_element_type3A_70 {offsets = [0, 1024], sizes = [512, 1024], strides = [1, 1]} : vector<512x2048xf32> to vector<512x1024xf32>
    %lt3A_201 = arith.cmpf olt, %slice3A_198, %slice3A_197 : vector<512x1024xf32>
    %select_n3A_202 = arith.select %lt3A_201, %slice3A_198, %slice3A_197 : vector<512x1024xi1>, vector<512x1024xf32>
    %select_n3A_203 = arith.select %lt3A_201, %slice3A_200, %slice3A_199 : vector<512x1024xi1>, vector<512x1024xf32>
    %slice3A_204 = vector.extract_strided_slice %select_n3A_202 {offsets = [0, 0], sizes = [512, 512], strides = [1, 1]} : vector<512x1024xf32> to vector<512x512xf32>
    %slice3A_205 = vector.extract_strided_slice %select_n3A_202 {offsets = [0, 512], sizes = [512, 512], strides = [1, 1]} : vector<512x1024xf32> to vector<512x512xf32>
    %slice3A_206 = vector.extract_strided_slice %select_n3A_203 {offsets = [0, 0], sizes = [512, 512], strides = [1, 1]} : vector<512x1024xf32> to vector<512x512xf32>
    %slice3A_207 = vector.extract_strided_slice %select_n3A_203 {offsets = [0, 512], sizes = [512, 512], strides = [1, 1]} : vector<512x1024xf32> to vector<512x512xf32>
    %lt3A_208 = arith.cmpf olt, %slice3A_205, %slice3A_204 : vector<512x512xf32>
    %select_n3A_209 = arith.select %lt3A_208, %slice3A_205, %slice3A_204 : vector<512x512xi1>, vector<512x512xf32>
    %select_n3A_210 = arith.select %lt3A_208, %slice3A_207, %slice3A_206 : vector<512x512xi1>, vector<512x512xf32>
    %slice3A_211 = vector.extract_strided_slice %select_n3A_209 {offsets = [0, 0], sizes = [512, 256], strides = [1, 1]} : vector<512x512xf32> to vector<512x256xf32>
    %slice3A_212 = vector.extract_strided_slice %select_n3A_209 {offsets = [0, 256], sizes = [512, 256], strides = [1, 1]} : vector<512x512xf32> to vector<512x256xf32>
    %slice3A_213 = vector.extract_strided_slice %select_n3A_210 {offsets = [0, 0], sizes = [512, 256], strides = [1, 1]} : vector<512x512xf32> to vector<512x256xf32>
    %slice3A_214 = vector.extract_strided_slice %select_n3A_210 {offsets = [0, 256], sizes = [512, 256], strides = [1, 1]} : vector<512x512xf32> to vector<512x256xf32>
    %lt3A_215 = arith.cmpf olt, %slice3A_212, %slice3A_211 : vector<512x256xf32>
    %select_n3A_216 = arith.select %lt3A_215, %slice3A_212, %slice3A_211 : vector<512x256xi1>, vector<512x256xf32>
    %select_n3A_217 = arith.select %lt3A_215, %slice3A_214, %slice3A_213 : vector<512x256xi1>, vector<512x256xf32>
    %slice3A_218 = vector.extract_strided_slice %select_n3A_216 {offsets = [0, 0], sizes = [512, 128], strides = [1, 1]} : vector<512x256xf32> to vector<512x128xf32>
    %slice3A_219 = vector.extract_strided_slice %select_n3A_216 {offsets = [0, 128], sizes = [512, 128], strides = [1, 1]} : vector<512x256xf32> to vector<512x128xf32>
    %slice3A_220 = vector.extract_strided_slice %select_n3A_217 {offsets = [0, 0], sizes = [512, 128], strides = [1, 1]} : vector<512x256xf32> to vector<512x128xf32>
    %slice3A_221 = vector.extract_strided_slice %select_n3A_217 {offsets = [0, 128], sizes = [512, 128], strides = [1, 1]} : vector<512x256xf32> to vector<512x128xf32>
    %lt3A_222 = arith.cmpf olt, %slice3A_219, %slice3A_218 : vector<512x128xf32>
    %select_n3A_223 = arith.select %lt3A_222, %slice3A_219, %slice3A_218 : vector<512x128xi1>, vector<512x128xf32>
    %select_n3A_224 = arith.select %lt3A_222, %slice3A_221, %slice3A_220 : vector<512x128xi1>, vector<512x128xf32>
    %reduce_min3A_225 = arith.constant dense<0x7F800000> : vector<512xf32>
    %reduce_min3A_226 = vector.multi_reduction <minimumf>, %select_n3A_223, %reduce_min3A_225 [1] : vector<512x128xf32> to vector<512xf32>
    %broadcast_in_dim3A_227 = vector.shape_cast %reduce_min3A_226 : vector<512xf32> to vector<512x1xf32>
    %eq3A_228 = vector.broadcast %broadcast_in_dim3A_227 : vector<512x1xf32> to vector<512x128xf32>
    %eq3A_229 = arith.cmpf oeq, %select_n3A_223, %eq3A_228 : vector<512x128xf32>
    %jit3A_230 = arith.constant 2.048000e+03 : f32
    %broadcast_in_dim3A_231 = vector.broadcast %jit3A_230 : f32 to vector<512x128xf32>
    %select_n3A_232 = arith.select %eq3A_229, %select_n3A_224, %broadcast_in_dim3A_231 : vector<512x128xi1>, vector<512x128xf32>
    %reduce_min3A_233 = arith.constant dense<0x7F800000> : vector<512xf32>
    %reduce_min3A_234 = vector.multi_reduction <minimumf>, %select_n3A_232, %reduce_min3A_233 [1] : vector<512x128xf32> to vector<512xf32>
    %broadcast_in_dim3A_235 = vector.shape_cast %reduce_min3A_234 : vector<512xf32> to vector<512x1xf32>
    %eq3A_236 = vector.broadcast %broadcast_in_dim3A_235 : vector<512x1xf32> to vector<512x2048xf32>
    %eq3A_237 = arith.cmpf oeq, %convert_element_type3A_70, %eq3A_236 : vector<512x2048xf32>
    %jit3A_238 = arith.constant 0x7F800000 : f32
    %broadcast_in_dim3A_239 = vector.broadcast %jit3A_238 : f32 to vector<512x2048xf32>
    %select_n3A_240 = arith.select %eq3A_237, %broadcast_in_dim3A_239, %select_n3A_196 : vector<512x2048xi1>, vector<512x2048xf32>
    %slice3A_241 = vector.extract_strided_slice %select_n3A_240 {offsets = [0, 0], sizes = [512, 1024], strides = [1, 1]} : vector<512x2048xf32> to vector<512x1024xf32>
    %slice3A_242 = vector.extract_strided_slice %select_n3A_240 {offsets = [0, 1024], sizes = [512, 1024], strides = [1, 1]} : vector<512x2048xf32> to vector<512x1024xf32>
    %slice3A_243 = vector.extract_strided_slice %convert_element_type3A_70 {offsets = [0, 0], sizes = [512, 1024], strides = [1, 1]} : vector<512x2048xf32> to vector<512x1024xf32>
    %slice3A_244 = vector.extract_strided_slice %convert_element_type3A_70 {offsets = [0, 1024], sizes = [512, 1024], strides = [1, 1]} : vector<512x2048xf32> to vector<512x1024xf32>
    %lt3A_245 = arith.cmpf olt, %slice3A_242, %slice3A_241 : vector<512x1024xf32>
    %select_n3A_246 = arith.select %lt3A_245, %slice3A_242, %slice3A_241 : vector<512x1024xi1>, vector<512x1024xf32>
    %select_n3A_247 = arith.select %lt3A_245, %slice3A_244, %slice3A_243 : vector<512x1024xi1>, vector<512x1024xf32>
    %slice3A_248 = vector.extract_strided_slice %select_n3A_246 {offsets = [0, 0], sizes = [512, 512], strides = [1, 1]} : vector<512x1024xf32> to vector<512x512xf32>
    %slice3A_249 = vector.extract_strided_slice %select_n3A_246 {offsets = [0, 512], sizes = [512, 512], strides = [1, 1]} : vector<512x1024xf32> to vector<512x512xf32>
    %slice3A_250 = vector.extract_strided_slice %select_n3A_247 {offsets = [0, 0], sizes = [512, 512], strides = [1, 1]} : vector<512x1024xf32> to vector<512x512xf32>
    %slice3A_251 = vector.extract_strided_slice %select_n3A_247 {offsets = [0, 512], sizes = [512, 512], strides = [1, 1]} : vector<512x1024xf32> to vector<512x512xf32>
    %lt3A_252 = arith.cmpf olt, %slice3A_249, %slice3A_248 : vector<512x512xf32>
    %select_n3A_253 = arith.select %lt3A_252, %slice3A_249, %slice3A_248 : vector<512x512xi1>, vector<512x512xf32>
    %select_n3A_254 = arith.select %lt3A_252, %slice3A_251, %slice3A_250 : vector<512x512xi1>, vector<512x512xf32>
    %slice3A_255 = vector.extract_strided_slice %select_n3A_253 {offsets = [0, 0], sizes = [512, 256], strides = [1, 1]} : vector<512x512xf32> to vector<512x256xf32>
    %slice3A_256 = vector.extract_strided_slice %select_n3A_253 {offsets = [0, 256], sizes = [512, 256], strides = [1, 1]} : vector<512x512xf32> to vector<512x256xf32>
    %slice3A_257 = vector.extract_strided_slice %select_n3A_254 {offsets = [0, 0], sizes = [512, 256], strides = [1, 1]} : vector<512x512xf32> to vector<512x256xf32>
    %slice3A_258 = vector.extract_strided_slice %select_n3A_254 {offsets = [0, 256], sizes = [512, 256], strides = [1, 1]} : vector<512x512xf32> to vector<512x256xf32>
    %lt3A_259 = arith.cmpf olt, %slice3A_256, %slice3A_255 : vector<512x256xf32>
    %select_n3A_260 = arith.select %lt3A_259, %slice3A_256, %slice3A_255 : vector<512x256xi1>, vector<512x256xf32>
    %select_n3A_261 = arith.select %lt3A_259, %slice3A_258, %slice3A_257 : vector<512x256xi1>, vector<512x256xf32>
    %slice3A_262 = vector.extract_strided_slice %select_n3A_260 {offsets = [0, 0], sizes = [512, 128], strides = [1, 1]} : vector<512x256xf32> to vector<512x128xf32>
    %slice3A_263 = vector.extract_strided_slice %select_n3A_260 {offsets = [0, 128], sizes = [512, 128], strides = [1, 1]} : vector<512x256xf32> to vector<512x128xf32>
    %slice3A_264 = vector.extract_strided_slice %select_n3A_261 {offsets = [0, 0], sizes = [512, 128], strides = [1, 1]} : vector<512x256xf32> to vector<512x128xf32>
    %slice3A_265 = vector.extract_strided_slice %select_n3A_261 {offsets = [0, 128], sizes = [512, 128], strides = [1, 1]} : vector<512x256xf32> to vector<512x128xf32>
    %lt3A_266 = arith.cmpf olt, %slice3A_263, %slice3A_262 : vector<512x128xf32>
    %select_n3A_267 = arith.select %lt3A_266, %slice3A_263, %slice3A_262 : vector<512x128xi1>, vector<512x128xf32>
    %select_n3A_268 = arith.select %lt3A_266, %slice3A_265, %slice3A_264 : vector<512x128xi1>, vector<512x128xf32>
    %reduce_min3A_269 = arith.constant dense<0x7F800000> : vector<512xf32>
    %reduce_min3A_270 = vector.multi_reduction <minimumf>, %select_n3A_267, %reduce_min3A_269 [1] : vector<512x128xf32> to vector<512xf32>
    %broadcast_in_dim3A_271 = vector.shape_cast %reduce_min3A_270 : vector<512xf32> to vector<512x1xf32>
    %eq3A_272 = vector.broadcast %broadcast_in_dim3A_271 : vector<512x1xf32> to vector<512x128xf32>
    %eq3A_273 = arith.cmpf oeq, %select_n3A_267, %eq3A_272 : vector<512x128xf32>
    %jit3A_274 = arith.constant 2.048000e+03 : f32
    %broadcast_in_dim3A_275 = vector.broadcast %jit3A_274 : f32 to vector<512x128xf32>
    %select_n3A_276 = arith.select %eq3A_273, %select_n3A_268, %broadcast_in_dim3A_275 : vector<512x128xi1>, vector<512x128xf32>
    %reduce_min3A_277 = arith.constant dense<0x7F800000> : vector<512xf32>
    %reduce_min3A_278 = vector.multi_reduction <minimumf>, %select_n3A_276, %reduce_min3A_277 [1] : vector<512x128xf32> to vector<512xf32>
    %broadcast_in_dim3A_279 = vector.shape_cast %reduce_min3A_278 : vector<512xf32> to vector<512x1xf32>
    %eq3A_280 = vector.broadcast %broadcast_in_dim3A_279 : vector<512x1xf32> to vector<512x2048xf32>
    %eq3A_281 = arith.cmpf oeq, %convert_element_type3A_70, %eq3A_280 : vector<512x2048xf32>
    %jit3A_282 = arith.constant 0x7F800000 : f32
    %broadcast_in_dim3A_283 = vector.broadcast %jit3A_282 : f32 to vector<512x2048xf32>
    %select_n3A_284 = arith.select %eq3A_281, %broadcast_in_dim3A_283, %select_n3A_240 : vector<512x2048xi1>, vector<512x2048xf32>
    %slice3A_285 = vector.extract_strided_slice %select_n3A_284 {offsets = [0, 0], sizes = [512, 1024], strides = [1, 1]} : vector<512x2048xf32> to vector<512x1024xf32>
    %slice3A_286 = vector.extract_strided_slice %select_n3A_284 {offsets = [0, 1024], sizes = [512, 1024], strides = [1, 1]} : vector<512x2048xf32> to vector<512x1024xf32>
    %slice3A_287 = vector.extract_strided_slice %convert_element_type3A_70 {offsets = [0, 0], sizes = [512, 1024], strides = [1, 1]} : vector<512x2048xf32> to vector<512x1024xf32>
    %slice3A_288 = vector.extract_strided_slice %convert_element_type3A_70 {offsets = [0, 1024], sizes = [512, 1024], strides = [1, 1]} : vector<512x2048xf32> to vector<512x1024xf32>
    %lt3A_289 = arith.cmpf olt, %slice3A_286, %slice3A_285 : vector<512x1024xf32>
    %select_n3A_290 = arith.select %lt3A_289, %slice3A_286, %slice3A_285 : vector<512x1024xi1>, vector<512x1024xf32>
    %select_n3A_291 = arith.select %lt3A_289, %slice3A_288, %slice3A_287 : vector<512x1024xi1>, vector<512x1024xf32>
    %slice3A_292 = vector.extract_strided_slice %select_n3A_290 {offsets = [0, 0], sizes = [512, 512], strides = [1, 1]} : vector<512x1024xf32> to vector<512x512xf32>
    %slice3A_293 = vector.extract_strided_slice %select_n3A_290 {offsets = [0, 512], sizes = [512, 512], strides = [1, 1]} : vector<512x1024xf32> to vector<512x512xf32>
    %slice3A_294 = vector.extract_strided_slice %select_n3A_291 {offsets = [0, 0], sizes = [512, 512], strides = [1, 1]} : vector<512x1024xf32> to vector<512x512xf32>
    %slice3A_295 = vector.extract_strided_slice %select_n3A_291 {offsets = [0, 512], sizes = [512, 512], strides = [1, 1]} : vector<512x1024xf32> to vector<512x512xf32>
    %lt3A_296 = arith.cmpf olt, %slice3A_293, %slice3A_292 : vector<512x512xf32>
    %select_n3A_297 = arith.select %lt3A_296, %slice3A_293, %slice3A_292 : vector<512x512xi1>, vector<512x512xf32>
    %select_n3A_298 = arith.select %lt3A_296, %slice3A_295, %slice3A_294 : vector<512x512xi1>, vector<512x512xf32>
    %slice3A_299 = vector.extract_strided_slice %select_n3A_297 {offsets = [0, 0], sizes = [512, 256], strides = [1, 1]} : vector<512x512xf32> to vector<512x256xf32>
    %slice3A_300 = vector.extract_strided_slice %select_n3A_297 {offsets = [0, 256], sizes = [512, 256], strides = [1, 1]} : vector<512x512xf32> to vector<512x256xf32>
    %slice3A_301 = vector.extract_strided_slice %select_n3A_298 {offsets = [0, 0], sizes = [512, 256], strides = [1, 1]} : vector<512x512xf32> to vector<512x256xf32>
    %slice3A_302 = vector.extract_strided_slice %select_n3A_298 {offsets = [0, 256], sizes = [512, 256], strides = [1, 1]} : vector<512x512xf32> to vector<512x256xf32>
    %lt3A_303 = arith.cmpf olt, %slice3A_300, %slice3A_299 : vector<512x256xf32>
    %select_n3A_304 = arith.select %lt3A_303, %slice3A_300, %slice3A_299 : vector<512x256xi1>, vector<512x256xf32>
    %select_n3A_305 = arith.select %lt3A_303, %slice3A_302, %slice3A_301 : vector<512x256xi1>, vector<512x256xf32>
    %slice3A_306 = vector.extract_strided_slice %select_n3A_304 {offsets = [0, 0], sizes = [512, 128], strides = [1, 1]} : vector<512x256xf32> to vector<512x128xf32>
    %slice3A_307 = vector.extract_strided_slice %select_n3A_304 {offsets = [0, 128], sizes = [512, 128], strides = [1, 1]} : vector<512x256xf32> to vector<512x128xf32>
    %slice3A_308 = vector.extract_strided_slice %select_n3A_305 {offsets = [0, 0], sizes = [512, 128], strides = [1, 1]} : vector<512x256xf32> to vector<512x128xf32>
    %slice3A_309 = vector.extract_strided_slice %select_n3A_305 {offsets = [0, 128], sizes = [512, 128], strides = [1, 1]} : vector<512x256xf32> to vector<512x128xf32>
    %lt3A_310 = arith.cmpf olt, %slice3A_307, %slice3A_306 : vector<512x128xf32>
    %select_n3A_311 = arith.select %lt3A_310, %slice3A_307, %slice3A_306 : vector<512x128xi1>, vector<512x128xf32>
    %select_n3A_312 = arith.select %lt3A_310, %slice3A_309, %slice3A_308 : vector<512x128xi1>, vector<512x128xf32>
    %reduce_min3A_313 = arith.constant dense<0x7F800000> : vector<512xf32>
    %reduce_min3A_314 = vector.multi_reduction <minimumf>, %select_n3A_311, %reduce_min3A_313 [1] : vector<512x128xf32> to vector<512xf32>
    %broadcast_in_dim3A_315 = vector.shape_cast %reduce_min3A_314 : vector<512xf32> to vector<512x1xf32>
    %eq3A_316 = vector.broadcast %broadcast_in_dim3A_315 : vector<512x1xf32> to vector<512x128xf32>
    %eq3A_317 = arith.cmpf oeq, %select_n3A_311, %eq3A_316 : vector<512x128xf32>
    %jit3A_318 = arith.constant 2.048000e+03 : f32
    %broadcast_in_dim3A_319 = vector.broadcast %jit3A_318 : f32 to vector<512x128xf32>
    %select_n3A_320 = arith.select %eq3A_317, %select_n3A_312, %broadcast_in_dim3A_319 : vector<512x128xi1>, vector<512x128xf32>
    %reduce_min3A_321 = arith.constant dense<0x7F800000> : vector<512xf32>
    %reduce_min3A_322 = vector.multi_reduction <minimumf>, %select_n3A_320, %reduce_min3A_321 [1] : vector<512x128xf32> to vector<512xf32>
    %broadcast_in_dim3A_323 = vector.shape_cast %reduce_min3A_322 : vector<512xf32> to vector<512x1xf32>
    %eq3A_324 = vector.broadcast %broadcast_in_dim3A_323 : vector<512x1xf32> to vector<512x2048xf32>
    %eq3A_325 = arith.cmpf oeq, %convert_element_type3A_70, %eq3A_324 : vector<512x2048xf32>
    %jit3A_326 = arith.constant 0x7F800000 : f32
    %broadcast_in_dim3A_327 = vector.broadcast %jit3A_326 : f32 to vector<512x2048xf32>
    %select_n3A_328 = arith.select %eq3A_325, %broadcast_in_dim3A_327, %select_n3A_284 : vector<512x2048xi1>, vector<512x2048xf32>
    %slice3A_329 = vector.extract_strided_slice %select_n3A_328 {offsets = [0, 0], sizes = [512, 1024], strides = [1, 1]} : vector<512x2048xf32> to vector<512x1024xf32>
    %slice3A_330 = vector.extract_strided_slice %select_n3A_328 {offsets = [0, 1024], sizes = [512, 1024], strides = [1, 1]} : vector<512x2048xf32> to vector<512x1024xf32>
    %slice3A_331 = vector.extract_strided_slice %convert_element_type3A_70 {offsets = [0, 0], sizes = [512, 1024], strides = [1, 1]} : vector<512x2048xf32> to vector<512x1024xf32>
    %slice3A_332 = vector.extract_strided_slice %convert_element_type3A_70 {offsets = [0, 1024], sizes = [512, 1024], strides = [1, 1]} : vector<512x2048xf32> to vector<512x1024xf32>
    %lt3A_333 = arith.cmpf olt, %slice3A_330, %slice3A_329 : vector<512x1024xf32>
    %select_n3A_334 = arith.select %lt3A_333, %slice3A_330, %slice3A_329 : vector<512x1024xi1>, vector<512x1024xf32>
    %select_n3A_335 = arith.select %lt3A_333, %slice3A_332, %slice3A_331 : vector<512x1024xi1>, vector<512x1024xf32>
    %slice3A_336 = vector.extract_strided_slice %select_n3A_334 {offsets = [0, 0], sizes = [512, 512], strides = [1, 1]} : vector<512x1024xf32> to vector<512x512xf32>
    %slice3A_337 = vector.extract_strided_slice %select_n3A_334 {offsets = [0, 512], sizes = [512, 512], strides = [1, 1]} : vector<512x1024xf32> to vector<512x512xf32>
    %slice3A_338 = vector.extract_strided_slice %select_n3A_335 {offsets = [0, 0], sizes = [512, 512], strides = [1, 1]} : vector<512x1024xf32> to vector<512x512xf32>
    %slice3A_339 = vector.extract_strided_slice %select_n3A_335 {offsets = [0, 512], sizes = [512, 512], strides = [1, 1]} : vector<512x1024xf32> to vector<512x512xf32>
    %lt3A_340 = arith.cmpf olt, %slice3A_337, %slice3A_336 : vector<512x512xf32>
    %select_n3A_341 = arith.select %lt3A_340, %slice3A_337, %slice3A_336 : vector<512x512xi1>, vector<512x512xf32>
    %select_n3A_342 = arith.select %lt3A_340, %slice3A_339, %slice3A_338 : vector<512x512xi1>, vector<512x512xf32>
    %slice3A_343 = vector.extract_strided_slice %select_n3A_341 {offsets = [0, 0], sizes = [512, 256], strides = [1, 1]} : vector<512x512xf32> to vector<512x256xf32>
    %slice3A_344 = vector.extract_strided_slice %select_n3A_341 {offsets = [0, 256], sizes = [512, 256], strides = [1, 1]} : vector<512x512xf32> to vector<512x256xf32>
    %slice3A_345 = vector.extract_strided_slice %select_n3A_342 {offsets = [0, 0], sizes = [512, 256], strides = [1, 1]} : vector<512x512xf32> to vector<512x256xf32>
    %slice3A_346 = vector.extract_strided_slice %select_n3A_342 {offsets = [0, 256], sizes = [512, 256], strides = [1, 1]} : vector<512x512xf32> to vector<512x256xf32>
    %lt3A_347 = arith.cmpf olt, %slice3A_344, %slice3A_343 : vector<512x256xf32>
    %select_n3A_348 = arith.select %lt3A_347, %slice3A_344, %slice3A_343 : vector<512x256xi1>, vector<512x256xf32>
    %select_n3A_349 = arith.select %lt3A_347, %slice3A_346, %slice3A_345 : vector<512x256xi1>, vector<512x256xf32>
    %slice3A_350 = vector.extract_strided_slice %select_n3A_348 {offsets = [0, 0], sizes = [512, 128], strides = [1, 1]} : vector<512x256xf32> to vector<512x128xf32>
    %slice3A_351 = vector.extract_strided_slice %select_n3A_348 {offsets = [0, 128], sizes = [512, 128], strides = [1, 1]} : vector<512x256xf32> to vector<512x128xf32>
    %slice3A_352 = vector.extract_strided_slice %select_n3A_349 {offsets = [0, 0], sizes = [512, 128], strides = [1, 1]} : vector<512x256xf32> to vector<512x128xf32>
    %slice3A_353 = vector.extract_strided_slice %select_n3A_349 {offsets = [0, 128], sizes = [512, 128], strides = [1, 1]} : vector<512x256xf32> to vector<512x128xf32>
    %lt3A_354 = arith.cmpf olt, %slice3A_351, %slice3A_350 : vector<512x128xf32>
    %select_n3A_355 = arith.select %lt3A_354, %slice3A_351, %slice3A_350 : vector<512x128xi1>, vector<512x128xf32>
    %select_n3A_356 = arith.select %lt3A_354, %slice3A_353, %slice3A_352 : vector<512x128xi1>, vector<512x128xf32>
    %reduce_min3A_357 = arith.constant dense<0x7F800000> : vector<512xf32>
    %reduce_min3A_358 = vector.multi_reduction <minimumf>, %select_n3A_355, %reduce_min3A_357 [1] : vector<512x128xf32> to vector<512xf32>
    %broadcast_in_dim3A_359 = vector.shape_cast %reduce_min3A_358 : vector<512xf32> to vector<512x1xf32>
    %eq3A_360 = vector.broadcast %broadcast_in_dim3A_359 : vector<512x1xf32> to vector<512x128xf32>
    %eq3A_361 = arith.cmpf oeq, %select_n3A_355, %eq3A_360 : vector<512x128xf32>
    %jit3A_362 = arith.constant 2.048000e+03 : f32
    %broadcast_in_dim3A_363 = vector.broadcast %jit3A_362 : f32 to vector<512x128xf32>
    %select_n3A_364 = arith.select %eq3A_361, %select_n3A_356, %broadcast_in_dim3A_363 : vector<512x128xi1>, vector<512x128xf32>
    %reduce_min3A_365 = arith.constant dense<0x7F800000> : vector<512xf32>
    %reduce_min3A_366 = vector.multi_reduction <minimumf>, %select_n3A_364, %reduce_min3A_365 [1] : vector<512x128xf32> to vector<512xf32>
    %broadcast_in_dim3A_367 = vector.shape_cast %reduce_min3A_366 : vector<512xf32> to vector<512x1xf32>
    %eq3A_368 = vector.broadcast %broadcast_in_dim3A_367 : vector<512x1xf32> to vector<512x2048xf32>
    %eq3A_369 = arith.cmpf oeq, %convert_element_type3A_70, %eq3A_368 : vector<512x2048xf32>
    %jit3A_370 = arith.constant 0x7F800000 : f32
    %broadcast_in_dim3A_371 = vector.broadcast %jit3A_370 : f32 to vector<512x2048xf32>
    %select_n3A_372 = arith.select %eq3A_369, %broadcast_in_dim3A_371, %select_n3A_328 : vector<512x2048xi1>, vector<512x2048xf32>
    %slice3A_373 = vector.extract_strided_slice %select_n3A_372 {offsets = [0, 0], sizes = [512, 1024], strides = [1, 1]} : vector<512x2048xf32> to vector<512x1024xf32>
    %slice3A_374 = vector.extract_strided_slice %select_n3A_372 {offsets = [0, 1024], sizes = [512, 1024], strides = [1, 1]} : vector<512x2048xf32> to vector<512x1024xf32>
    %slice3A_375 = vector.extract_strided_slice %convert_element_type3A_70 {offsets = [0, 0], sizes = [512, 1024], strides = [1, 1]} : vector<512x2048xf32> to vector<512x1024xf32>
    %slice3A_376 = vector.extract_strided_slice %convert_element_type3A_70 {offsets = [0, 1024], sizes = [512, 1024], strides = [1, 1]} : vector<512x2048xf32> to vector<512x1024xf32>
    %lt3A_377 = arith.cmpf olt, %slice3A_374, %slice3A_373 : vector<512x1024xf32>
    %select_n3A_378 = arith.select %lt3A_377, %slice3A_374, %slice3A_373 : vector<512x1024xi1>, vector<512x1024xf32>
    %select_n3A_379 = arith.select %lt3A_377, %slice3A_376, %slice3A_375 : vector<512x1024xi1>, vector<512x1024xf32>
    %slice3A_380 = vector.extract_strided_slice %select_n3A_378 {offsets = [0, 0], sizes = [512, 512], strides = [1, 1]} : vector<512x1024xf32> to vector<512x512xf32>
    %slice3A_381 = vector.extract_strided_slice %select_n3A_378 {offsets = [0, 512], sizes = [512, 512], strides = [1, 1]} : vector<512x1024xf32> to vector<512x512xf32>
    %slice3A_382 = vector.extract_strided_slice %select_n3A_379 {offsets = [0, 0], sizes = [512, 512], strides = [1, 1]} : vector<512x1024xf32> to vector<512x512xf32>
    %slice3A_383 = vector.extract_strided_slice %select_n3A_379 {offsets = [0, 512], sizes = [512, 512], strides = [1, 1]} : vector<512x1024xf32> to vector<512x512xf32>
    %lt3A_384 = arith.cmpf olt, %slice3A_381, %slice3A_380 : vector<512x512xf32>
    %select_n3A_385 = arith.select %lt3A_384, %slice3A_381, %slice3A_380 : vector<512x512xi1>, vector<512x512xf32>
    %select_n3A_386 = arith.select %lt3A_384, %slice3A_383, %slice3A_382 : vector<512x512xi1>, vector<512x512xf32>
    %slice3A_387 = vector.extract_strided_slice %select_n3A_385 {offsets = [0, 0], sizes = [512, 256], strides = [1, 1]} : vector<512x512xf32> to vector<512x256xf32>
    %slice3A_388 = vector.extract_strided_slice %select_n3A_385 {offsets = [0, 256], sizes = [512, 256], strides = [1, 1]} : vector<512x512xf32> to vector<512x256xf32>
    %slice3A_389 = vector.extract_strided_slice %select_n3A_386 {offsets = [0, 0], sizes = [512, 256], strides = [1, 1]} : vector<512x512xf32> to vector<512x256xf32>
    %slice3A_390 = vector.extract_strided_slice %select_n3A_386 {offsets = [0, 256], sizes = [512, 256], strides = [1, 1]} : vector<512x512xf32> to vector<512x256xf32>
    %lt3A_391 = arith.cmpf olt, %slice3A_388, %slice3A_387 : vector<512x256xf32>
    %select_n3A_392 = arith.select %lt3A_391, %slice3A_388, %slice3A_387 : vector<512x256xi1>, vector<512x256xf32>
    %select_n3A_393 = arith.select %lt3A_391, %slice3A_390, %slice3A_389 : vector<512x256xi1>, vector<512x256xf32>
    %slice3A_394 = vector.extract_strided_slice %select_n3A_392 {offsets = [0, 0], sizes = [512, 128], strides = [1, 1]} : vector<512x256xf32> to vector<512x128xf32>
    %slice3A_395 = vector.extract_strided_slice %select_n3A_392 {offsets = [0, 128], sizes = [512, 128], strides = [1, 1]} : vector<512x256xf32> to vector<512x128xf32>
    %slice3A_396 = vector.extract_strided_slice %select_n3A_393 {offsets = [0, 0], sizes = [512, 128], strides = [1, 1]} : vector<512x256xf32> to vector<512x128xf32>
    %slice3A_397 = vector.extract_strided_slice %select_n3A_393 {offsets = [0, 128], sizes = [512, 128], strides = [1, 1]} : vector<512x256xf32> to vector<512x128xf32>
    %lt3A_398 = arith.cmpf olt, %slice3A_395, %slice3A_394 : vector<512x128xf32>
    %select_n3A_399 = arith.select %lt3A_398, %slice3A_395, %slice3A_394 : vector<512x128xi1>, vector<512x128xf32>
    %select_n3A_400 = arith.select %lt3A_398, %slice3A_397, %slice3A_396 : vector<512x128xi1>, vector<512x128xf32>
    %reduce_min3A_401 = arith.constant dense<0x7F800000> : vector<512xf32>
    %reduce_min3A_402 = vector.multi_reduction <minimumf>, %select_n3A_399, %reduce_min3A_401 [1] : vector<512x128xf32> to vector<512xf32>
    %broadcast_in_dim3A_403 = vector.shape_cast %reduce_min3A_402 : vector<512xf32> to vector<512x1xf32>
    %eq3A_404 = vector.broadcast %broadcast_in_dim3A_403 : vector<512x1xf32> to vector<512x128xf32>
    %eq3A_405 = arith.cmpf oeq, %select_n3A_399, %eq3A_404 : vector<512x128xf32>
    %jit3A_406 = arith.constant 2.048000e+03 : f32
    %broadcast_in_dim3A_407 = vector.broadcast %jit3A_406 : f32 to vector<512x128xf32>
    %select_n3A_408 = arith.select %eq3A_405, %select_n3A_400, %broadcast_in_dim3A_407 : vector<512x128xi1>, vector<512x128xf32>
    %reduce_min3A_409 = arith.constant dense<0x7F800000> : vector<512xf32>
    %reduce_min3A_410 = vector.multi_reduction <minimumf>, %select_n3A_408, %reduce_min3A_409 [1] : vector<512x128xf32> to vector<512xf32>
    %broadcast_in_dim3A_411 = vector.shape_cast %reduce_min3A_410 : vector<512xf32> to vector<512x1xf32>
    %eq3A_412 = vector.broadcast %broadcast_in_dim3A_411 : vector<512x1xf32> to vector<512x2048xf32>
    %eq3A_413 = arith.cmpf oeq, %convert_element_type3A_70, %eq3A_412 : vector<512x2048xf32>
    %jit3A_414 = arith.constant 0x7F800000 : f32
    %broadcast_in_dim3A_415 = vector.broadcast %jit3A_414 : f32 to vector<512x2048xf32>
    %select_n3A_416 = arith.select %eq3A_413, %broadcast_in_dim3A_415, %select_n3A_372 : vector<512x2048xi1>, vector<512x2048xf32>
    %slice3A_417 = vector.extract_strided_slice %select_n3A_416 {offsets = [0, 0], sizes = [512, 1024], strides = [1, 1]} : vector<512x2048xf32> to vector<512x1024xf32>
    %slice3A_418 = vector.extract_strided_slice %select_n3A_416 {offsets = [0, 1024], sizes = [512, 1024], strides = [1, 1]} : vector<512x2048xf32> to vector<512x1024xf32>
    %slice3A_419 = vector.extract_strided_slice %convert_element_type3A_70 {offsets = [0, 0], sizes = [512, 1024], strides = [1, 1]} : vector<512x2048xf32> to vector<512x1024xf32>
    %slice3A_420 = vector.extract_strided_slice %convert_element_type3A_70 {offsets = [0, 1024], sizes = [512, 1024], strides = [1, 1]} : vector<512x2048xf32> to vector<512x1024xf32>
    %lt3A_421 = arith.cmpf olt, %slice3A_418, %slice3A_417 : vector<512x1024xf32>
    %select_n3A_422 = arith.select %lt3A_421, %slice3A_418, %slice3A_417 : vector<512x1024xi1>, vector<512x1024xf32>
    %select_n3A_423 = arith.select %lt3A_421, %slice3A_420, %slice3A_419 : vector<512x1024xi1>, vector<512x1024xf32>
    %slice3A_424 = vector.extract_strided_slice %select_n3A_422 {offsets = [0, 0], sizes = [512, 512], strides = [1, 1]} : vector<512x1024xf32> to vector<512x512xf32>
    %slice3A_425 = vector.extract_strided_slice %select_n3A_422 {offsets = [0, 512], sizes = [512, 512], strides = [1, 1]} : vector<512x1024xf32> to vector<512x512xf32>
    %slice3A_426 = vector.extract_strided_slice %select_n3A_423 {offsets = [0, 0], sizes = [512, 512], strides = [1, 1]} : vector<512x1024xf32> to vector<512x512xf32>
    %slice3A_427 = vector.extract_strided_slice %select_n3A_423 {offsets = [0, 512], sizes = [512, 512], strides = [1, 1]} : vector<512x1024xf32> to vector<512x512xf32>
    %lt3A_428 = arith.cmpf olt, %slice3A_425, %slice3A_424 : vector<512x512xf32>
    %select_n3A_429 = arith.select %lt3A_428, %slice3A_425, %slice3A_424 : vector<512x512xi1>, vector<512x512xf32>
    %select_n3A_430 = arith.select %lt3A_428, %slice3A_427, %slice3A_426 : vector<512x512xi1>, vector<512x512xf32>
    %slice3A_431 = vector.extract_strided_slice %select_n3A_429 {offsets = [0, 0], sizes = [512, 256], strides = [1, 1]} : vector<512x512xf32> to vector<512x256xf32>
    %slice3A_432 = vector.extract_strided_slice %select_n3A_429 {offsets = [0, 256], sizes = [512, 256], strides = [1, 1]} : vector<512x512xf32> to vector<512x256xf32>
    %slice3A_433 = vector.extract_strided_slice %select_n3A_430 {offsets = [0, 0], sizes = [512, 256], strides = [1, 1]} : vector<512x512xf32> to vector<512x256xf32>
    %slice3A_434 = vector.extract_strided_slice %select_n3A_430 {offsets = [0, 256], sizes = [512, 256], strides = [1, 1]} : vector<512x512xf32> to vector<512x256xf32>
    %lt3A_435 = arith.cmpf olt, %slice3A_432, %slice3A_431 : vector<512x256xf32>
    %select_n3A_436 = arith.select %lt3A_435, %slice3A_432, %slice3A_431 : vector<512x256xi1>, vector<512x256xf32>
    %select_n3A_437 = arith.select %lt3A_435, %slice3A_434, %slice3A_433 : vector<512x256xi1>, vector<512x256xf32>
    %slice3A_438 = vector.extract_strided_slice %select_n3A_436 {offsets = [0, 0], sizes = [512, 128], strides = [1, 1]} : vector<512x256xf32> to vector<512x128xf32>
    %slice3A_439 = vector.extract_strided_slice %select_n3A_436 {offsets = [0, 128], sizes = [512, 128], strides = [1, 1]} : vector<512x256xf32> to vector<512x128xf32>
    %slice3A_440 = vector.extract_strided_slice %select_n3A_437 {offsets = [0, 0], sizes = [512, 128], strides = [1, 1]} : vector<512x256xf32> to vector<512x128xf32>
    %slice3A_441 = vector.extract_strided_slice %select_n3A_437 {offsets = [0, 128], sizes = [512, 128], strides = [1, 1]} : vector<512x256xf32> to vector<512x128xf32>
    %lt3A_442 = arith.cmpf olt, %slice3A_439, %slice3A_438 : vector<512x128xf32>
    %select_n3A_443 = arith.select %lt3A_442, %slice3A_439, %slice3A_438 : vector<512x128xi1>, vector<512x128xf32>
    %select_n3A_444 = arith.select %lt3A_442, %slice3A_441, %slice3A_440 : vector<512x128xi1>, vector<512x128xf32>
    %reduce_min3A_445 = arith.constant dense<0x7F800000> : vector<512xf32>
    %reduce_min3A_446 = vector.multi_reduction <minimumf>, %select_n3A_443, %reduce_min3A_445 [1] : vector<512x128xf32> to vector<512xf32>
    %broadcast_in_dim3A_447 = vector.shape_cast %reduce_min3A_446 : vector<512xf32> to vector<512x1xf32>
    %eq3A_448 = vector.broadcast %broadcast_in_dim3A_447 : vector<512x1xf32> to vector<512x128xf32>
    %eq3A_449 = arith.cmpf oeq, %select_n3A_443, %eq3A_448 : vector<512x128xf32>
    %jit3A_450 = arith.constant 2.048000e+03 : f32
    %broadcast_in_dim3A_451 = vector.broadcast %jit3A_450 : f32 to vector<512x128xf32>
    %select_n3A_452 = arith.select %eq3A_449, %select_n3A_444, %broadcast_in_dim3A_451 : vector<512x128xi1>, vector<512x128xf32>
    %reduce_min3A_453 = arith.constant dense<0x7F800000> : vector<512xf32>
    %reduce_min3A_454 = vector.multi_reduction <minimumf>, %select_n3A_452, %reduce_min3A_453 [1] : vector<512x128xf32> to vector<512xf32>
    %broadcast_in_dim3A_455 = vector.shape_cast %reduce_min3A_454 : vector<512xf32> to vector<512x1xf32>
    %eq3A_456 = vector.broadcast %broadcast_in_dim3A_455 : vector<512x1xf32> to vector<512x2048xf32>
    %eq3A_457 = arith.cmpf oeq, %convert_element_type3A_70, %eq3A_456 : vector<512x2048xf32>
    %jit3A_458 = arith.constant 0x7F800000 : f32
    %broadcast_in_dim3A_459 = vector.broadcast %jit3A_458 : f32 to vector<512x2048xf32>
    %select_n3A_460 = arith.select %eq3A_457, %broadcast_in_dim3A_459, %select_n3A_416 : vector<512x2048xi1>, vector<512x2048xf32>
    %slice3A_461 = vector.extract_strided_slice %select_n3A_460 {offsets = [0, 0], sizes = [512, 1024], strides = [1, 1]} : vector<512x2048xf32> to vector<512x1024xf32>
    %slice3A_462 = vector.extract_strided_slice %select_n3A_460 {offsets = [0, 1024], sizes = [512, 1024], strides = [1, 1]} : vector<512x2048xf32> to vector<512x1024xf32>
    %slice3A_463 = vector.extract_strided_slice %convert_element_type3A_70 {offsets = [0, 0], sizes = [512, 1024], strides = [1, 1]} : vector<512x2048xf32> to vector<512x1024xf32>
    %slice3A_464 = vector.extract_strided_slice %convert_element_type3A_70 {offsets = [0, 1024], sizes = [512, 1024], strides = [1, 1]} : vector<512x2048xf32> to vector<512x1024xf32>
    %lt3A_465 = arith.cmpf olt, %slice3A_462, %slice3A_461 : vector<512x1024xf32>
    %select_n3A_466 = arith.select %lt3A_465, %slice3A_462, %slice3A_461 : vector<512x1024xi1>, vector<512x1024xf32>
    %select_n3A_467 = arith.select %lt3A_465, %slice3A_464, %slice3A_463 : vector<512x1024xi1>, vector<512x1024xf32>
    %slice3A_468 = vector.extract_strided_slice %select_n3A_466 {offsets = [0, 0], sizes = [512, 512], strides = [1, 1]} : vector<512x1024xf32> to vector<512x512xf32>
    %slice3A_469 = vector.extract_strided_slice %select_n3A_466 {offsets = [0, 512], sizes = [512, 512], strides = [1, 1]} : vector<512x1024xf32> to vector<512x512xf32>
    %slice3A_470 = vector.extract_strided_slice %select_n3A_467 {offsets = [0, 0], sizes = [512, 512], strides = [1, 1]} : vector<512x1024xf32> to vector<512x512xf32>
    %slice3A_471 = vector.extract_strided_slice %select_n3A_467 {offsets = [0, 512], sizes = [512, 512], strides = [1, 1]} : vector<512x1024xf32> to vector<512x512xf32>
    %lt3A_472 = arith.cmpf olt, %slice3A_469, %slice3A_468 : vector<512x512xf32>
    %select_n3A_473 = arith.select %lt3A_472, %slice3A_469, %slice3A_468 : vector<512x512xi1>, vector<512x512xf32>
    %select_n3A_474 = arith.select %lt3A_472, %slice3A_471, %slice3A_470 : vector<512x512xi1>, vector<512x512xf32>
    %slice3A_475 = vector.extract_strided_slice %select_n3A_473 {offsets = [0, 0], sizes = [512, 256], strides = [1, 1]} : vector<512x512xf32> to vector<512x256xf32>
    %slice3A_476 = vector.extract_strided_slice %select_n3A_473 {offsets = [0, 256], sizes = [512, 256], strides = [1, 1]} : vector<512x512xf32> to vector<512x256xf32>
    %slice3A_477 = vector.extract_strided_slice %select_n3A_474 {offsets = [0, 0], sizes = [512, 256], strides = [1, 1]} : vector<512x512xf32> to vector<512x256xf32>
    %slice3A_478 = vector.extract_strided_slice %select_n3A_474 {offsets = [0, 256], sizes = [512, 256], strides = [1, 1]} : vector<512x512xf32> to vector<512x256xf32>
    %lt3A_479 = arith.cmpf olt, %slice3A_476, %slice3A_475 : vector<512x256xf32>
    %select_n3A_480 = arith.select %lt3A_479, %slice3A_476, %slice3A_475 : vector<512x256xi1>, vector<512x256xf32>
    %select_n3A_481 = arith.select %lt3A_479, %slice3A_478, %slice3A_477 : vector<512x256xi1>, vector<512x256xf32>
    %slice3A_482 = vector.extract_strided_slice %select_n3A_480 {offsets = [0, 0], sizes = [512, 128], strides = [1, 1]} : vector<512x256xf32> to vector<512x128xf32>
    %slice3A_483 = vector.extract_strided_slice %select_n3A_480 {offsets = [0, 128], sizes = [512, 128], strides = [1, 1]} : vector<512x256xf32> to vector<512x128xf32>
    %slice3A_484 = vector.extract_strided_slice %select_n3A_481 {offsets = [0, 0], sizes = [512, 128], strides = [1, 1]} : vector<512x256xf32> to vector<512x128xf32>
    %slice3A_485 = vector.extract_strided_slice %select_n3A_481 {offsets = [0, 128], sizes = [512, 128], strides = [1, 1]} : vector<512x256xf32> to vector<512x128xf32>
    %lt3A_486 = arith.cmpf olt, %slice3A_483, %slice3A_482 : vector<512x128xf32>
    %select_n3A_487 = arith.select %lt3A_486, %slice3A_483, %slice3A_482 : vector<512x128xi1>, vector<512x128xf32>
    %select_n3A_488 = arith.select %lt3A_486, %slice3A_485, %slice3A_484 : vector<512x128xi1>, vector<512x128xf32>
    %reduce_min3A_489 = arith.constant dense<0x7F800000> : vector<512xf32>
    %reduce_min3A_490 = vector.multi_reduction <minimumf>, %select_n3A_487, %reduce_min3A_489 [1] : vector<512x128xf32> to vector<512xf32>
    %broadcast_in_dim3A_491 = vector.shape_cast %reduce_min3A_490 : vector<512xf32> to vector<512x1xf32>
    %eq3A_492 = vector.broadcast %broadcast_in_dim3A_491 : vector<512x1xf32> to vector<512x128xf32>
    %eq3A_493 = arith.cmpf oeq, %select_n3A_487, %eq3A_492 : vector<512x128xf32>
    %jit3A_494 = arith.constant 2.048000e+03 : f32
    %broadcast_in_dim3A_495 = vector.broadcast %jit3A_494 : f32 to vector<512x128xf32>
    %select_n3A_496 = arith.select %eq3A_493, %select_n3A_488, %broadcast_in_dim3A_495 : vector<512x128xi1>, vector<512x128xf32>
    %reduce_min3A_497 = arith.constant dense<0x7F800000> : vector<512xf32>
    %reduce_min3A_498 = vector.multi_reduction <minimumf>, %select_n3A_496, %reduce_min3A_497 [1] : vector<512x128xf32> to vector<512xf32>
    %broadcast_in_dim3A_499 = vector.shape_cast %reduce_min3A_498 : vector<512xf32> to vector<512x1xf32>
    %eq3A_500 = vector.broadcast %broadcast_in_dim3A_499 : vector<512x1xf32> to vector<512x2048xf32>
    %eq3A_501 = arith.cmpf oeq, %convert_element_type3A_70, %eq3A_500 : vector<512x2048xf32>
    %jit3A_502 = arith.constant 0x7F800000 : f32
    %broadcast_in_dim3A_503 = vector.broadcast %jit3A_502 : f32 to vector<512x2048xf32>
    %select_n3A_504 = arith.select %eq3A_501, %broadcast_in_dim3A_503, %select_n3A_460 : vector<512x2048xi1>, vector<512x2048xf32>
    %slice3A_505 = vector.extract_strided_slice %select_n3A_504 {offsets = [0, 0], sizes = [512, 1024], strides = [1, 1]} : vector<512x2048xf32> to vector<512x1024xf32>
    %slice3A_506 = vector.extract_strided_slice %select_n3A_504 {offsets = [0, 1024], sizes = [512, 1024], strides = [1, 1]} : vector<512x2048xf32> to vector<512x1024xf32>
    %slice3A_507 = vector.extract_strided_slice %convert_element_type3A_70 {offsets = [0, 0], sizes = [512, 1024], strides = [1, 1]} : vector<512x2048xf32> to vector<512x1024xf32>
    %slice3A_508 = vector.extract_strided_slice %convert_element_type3A_70 {offsets = [0, 1024], sizes = [512, 1024], strides = [1, 1]} : vector<512x2048xf32> to vector<512x1024xf32>
    %lt3A_509 = arith.cmpf olt, %slice3A_506, %slice3A_505 : vector<512x1024xf32>
    %select_n3A_510 = arith.select %lt3A_509, %slice3A_506, %slice3A_505 : vector<512x1024xi1>, vector<512x1024xf32>
    %select_n3A_511 = arith.select %lt3A_509, %slice3A_508, %slice3A_507 : vector<512x1024xi1>, vector<512x1024xf32>
    %slice3A_512 = vector.extract_strided_slice %select_n3A_510 {offsets = [0, 0], sizes = [512, 512], strides = [1, 1]} : vector<512x1024xf32> to vector<512x512xf32>
    %slice3A_513 = vector.extract_strided_slice %select_n3A_510 {offsets = [0, 512], sizes = [512, 512], strides = [1, 1]} : vector<512x1024xf32> to vector<512x512xf32>
    %slice3A_514 = vector.extract_strided_slice %select_n3A_511 {offsets = [0, 0], sizes = [512, 512], strides = [1, 1]} : vector<512x1024xf32> to vector<512x512xf32>
    %slice3A_515 = vector.extract_strided_slice %select_n3A_511 {offsets = [0, 512], sizes = [512, 512], strides = [1, 1]} : vector<512x1024xf32> to vector<512x512xf32>
    %lt3A_516 = arith.cmpf olt, %slice3A_513, %slice3A_512 : vector<512x512xf32>
    %select_n3A_517 = arith.select %lt3A_516, %slice3A_513, %slice3A_512 : vector<512x512xi1>, vector<512x512xf32>
    %select_n3A_518 = arith.select %lt3A_516, %slice3A_515, %slice3A_514 : vector<512x512xi1>, vector<512x512xf32>
    %slice3A_519 = vector.extract_strided_slice %select_n3A_517 {offsets = [0, 0], sizes = [512, 256], strides = [1, 1]} : vector<512x512xf32> to vector<512x256xf32>
    %slice3A_520 = vector.extract_strided_slice %select_n3A_517 {offsets = [0, 256], sizes = [512, 256], strides = [1, 1]} : vector<512x512xf32> to vector<512x256xf32>
    %slice3A_521 = vector.extract_strided_slice %select_n3A_518 {offsets = [0, 0], sizes = [512, 256], strides = [1, 1]} : vector<512x512xf32> to vector<512x256xf32>
    %slice3A_522 = vector.extract_strided_slice %select_n3A_518 {offsets = [0, 256], sizes = [512, 256], strides = [1, 1]} : vector<512x512xf32> to vector<512x256xf32>
    %lt3A_523 = arith.cmpf olt, %slice3A_520, %slice3A_519 : vector<512x256xf32>
    %select_n3A_524 = arith.select %lt3A_523, %slice3A_520, %slice3A_519 : vector<512x256xi1>, vector<512x256xf32>
    %select_n3A_525 = arith.select %lt3A_523, %slice3A_522, %slice3A_521 : vector<512x256xi1>, vector<512x256xf32>
    %slice3A_526 = vector.extract_strided_slice %select_n3A_524 {offsets = [0, 0], sizes = [512, 128], strides = [1, 1]} : vector<512x256xf32> to vector<512x128xf32>
    %slice3A_527 = vector.extract_strided_slice %select_n3A_524 {offsets = [0, 128], sizes = [512, 128], strides = [1, 1]} : vector<512x256xf32> to vector<512x128xf32>
    %slice3A_528 = vector.extract_strided_slice %select_n3A_525 {offsets = [0, 0], sizes = [512, 128], strides = [1, 1]} : vector<512x256xf32> to vector<512x128xf32>
    %slice3A_529 = vector.extract_strided_slice %select_n3A_525 {offsets = [0, 128], sizes = [512, 128], strides = [1, 1]} : vector<512x256xf32> to vector<512x128xf32>
    %lt3A_530 = arith.cmpf olt, %slice3A_527, %slice3A_526 : vector<512x128xf32>
    %select_n3A_531 = arith.select %lt3A_530, %slice3A_527, %slice3A_526 : vector<512x128xi1>, vector<512x128xf32>
    %select_n3A_532 = arith.select %lt3A_530, %slice3A_529, %slice3A_528 : vector<512x128xi1>, vector<512x128xf32>
    %reduce_min3A_533 = arith.constant dense<0x7F800000> : vector<512xf32>
    %reduce_min3A_534 = vector.multi_reduction <minimumf>, %select_n3A_531, %reduce_min3A_533 [1] : vector<512x128xf32> to vector<512xf32>
    %broadcast_in_dim3A_535 = vector.shape_cast %reduce_min3A_534 : vector<512xf32> to vector<512x1xf32>
    %eq3A_536 = vector.broadcast %broadcast_in_dim3A_535 : vector<512x1xf32> to vector<512x128xf32>
    %eq3A_537 = arith.cmpf oeq, %select_n3A_531, %eq3A_536 : vector<512x128xf32>
    %jit3A_538 = arith.constant 2.048000e+03 : f32
    %broadcast_in_dim3A_539 = vector.broadcast %jit3A_538 : f32 to vector<512x128xf32>
    %select_n3A_540 = arith.select %eq3A_537, %select_n3A_532, %broadcast_in_dim3A_539 : vector<512x128xi1>, vector<512x128xf32>
    %reduce_min3A_541 = arith.constant dense<0x7F800000> : vector<512xf32>
    %reduce_min3A_542 = vector.multi_reduction <minimumf>, %select_n3A_540, %reduce_min3A_541 [1] : vector<512x128xf32> to vector<512xf32>
    %broadcast_in_dim3A_543 = vector.shape_cast %reduce_min3A_542 : vector<512xf32> to vector<512x1xf32>
    %eq3A_544 = vector.broadcast %broadcast_in_dim3A_543 : vector<512x1xf32> to vector<512x2048xf32>
    %eq3A_545 = arith.cmpf oeq, %convert_element_type3A_70, %eq3A_544 : vector<512x2048xf32>
    %jit3A_546 = arith.constant 0x7F800000 : f32
    %broadcast_in_dim3A_547 = vector.broadcast %jit3A_546 : f32 to vector<512x2048xf32>
    %select_n3A_548 = arith.select %eq3A_545, %broadcast_in_dim3A_547, %select_n3A_504 : vector<512x2048xi1>, vector<512x2048xf32>
    %slice3A_549 = vector.extract_strided_slice %select_n3A_548 {offsets = [0, 0], sizes = [512, 1024], strides = [1, 1]} : vector<512x2048xf32> to vector<512x1024xf32>
    %slice3A_550 = vector.extract_strided_slice %select_n3A_548 {offsets = [0, 1024], sizes = [512, 1024], strides = [1, 1]} : vector<512x2048xf32> to vector<512x1024xf32>
    %slice3A_551 = vector.extract_strided_slice %convert_element_type3A_70 {offsets = [0, 0], sizes = [512, 1024], strides = [1, 1]} : vector<512x2048xf32> to vector<512x1024xf32>
    %slice3A_552 = vector.extract_strided_slice %convert_element_type3A_70 {offsets = [0, 1024], sizes = [512, 1024], strides = [1, 1]} : vector<512x2048xf32> to vector<512x1024xf32>
    %lt3A_553 = arith.cmpf olt, %slice3A_550, %slice3A_549 : vector<512x1024xf32>
    %select_n3A_554 = arith.select %lt3A_553, %slice3A_550, %slice3A_549 : vector<512x1024xi1>, vector<512x1024xf32>
    %select_n3A_555 = arith.select %lt3A_553, %slice3A_552, %slice3A_551 : vector<512x1024xi1>, vector<512x1024xf32>
    %slice3A_556 = vector.extract_strided_slice %select_n3A_554 {offsets = [0, 0], sizes = [512, 512], strides = [1, 1]} : vector<512x1024xf32> to vector<512x512xf32>
    %slice3A_557 = vector.extract_strided_slice %select_n3A_554 {offsets = [0, 512], sizes = [512, 512], strides = [1, 1]} : vector<512x1024xf32> to vector<512x512xf32>
    %slice3A_558 = vector.extract_strided_slice %select_n3A_555 {offsets = [0, 0], sizes = [512, 512], strides = [1, 1]} : vector<512x1024xf32> to vector<512x512xf32>
    %slice3A_559 = vector.extract_strided_slice %select_n3A_555 {offsets = [0, 512], sizes = [512, 512], strides = [1, 1]} : vector<512x1024xf32> to vector<512x512xf32>
    %lt3A_560 = arith.cmpf olt, %slice3A_557, %slice3A_556 : vector<512x512xf32>
    %select_n3A_561 = arith.select %lt3A_560, %slice3A_557, %slice3A_556 : vector<512x512xi1>, vector<512x512xf32>
    %select_n3A_562 = arith.select %lt3A_560, %slice3A_559, %slice3A_558 : vector<512x512xi1>, vector<512x512xf32>
    %slice3A_563 = vector.extract_strided_slice %select_n3A_561 {offsets = [0, 0], sizes = [512, 256], strides = [1, 1]} : vector<512x512xf32> to vector<512x256xf32>
    %slice3A_564 = vector.extract_strided_slice %select_n3A_561 {offsets = [0, 256], sizes = [512, 256], strides = [1, 1]} : vector<512x512xf32> to vector<512x256xf32>
    %slice3A_565 = vector.extract_strided_slice %select_n3A_562 {offsets = [0, 0], sizes = [512, 256], strides = [1, 1]} : vector<512x512xf32> to vector<512x256xf32>
    %slice3A_566 = vector.extract_strided_slice %select_n3A_562 {offsets = [0, 256], sizes = [512, 256], strides = [1, 1]} : vector<512x512xf32> to vector<512x256xf32>
    %lt3A_567 = arith.cmpf olt, %slice3A_564, %slice3A_563 : vector<512x256xf32>
    %select_n3A_568 = arith.select %lt3A_567, %slice3A_564, %slice3A_563 : vector<512x256xi1>, vector<512x256xf32>
    %select_n3A_569 = arith.select %lt3A_567, %slice3A_566, %slice3A_565 : vector<512x256xi1>, vector<512x256xf32>
    %slice3A_570 = vector.extract_strided_slice %select_n3A_568 {offsets = [0, 0], sizes = [512, 128], strides = [1, 1]} : vector<512x256xf32> to vector<512x128xf32>
    %slice3A_571 = vector.extract_strided_slice %select_n3A_568 {offsets = [0, 128], sizes = [512, 128], strides = [1, 1]} : vector<512x256xf32> to vector<512x128xf32>
    %slice3A_572 = vector.extract_strided_slice %select_n3A_569 {offsets = [0, 0], sizes = [512, 128], strides = [1, 1]} : vector<512x256xf32> to vector<512x128xf32>
    %slice3A_573 = vector.extract_strided_slice %select_n3A_569 {offsets = [0, 128], sizes = [512, 128], strides = [1, 1]} : vector<512x256xf32> to vector<512x128xf32>
    %lt3A_574 = arith.cmpf olt, %slice3A_571, %slice3A_570 : vector<512x128xf32>
    %select_n3A_575 = arith.select %lt3A_574, %slice3A_571, %slice3A_570 : vector<512x128xi1>, vector<512x128xf32>
    %select_n3A_576 = arith.select %lt3A_574, %slice3A_573, %slice3A_572 : vector<512x128xi1>, vector<512x128xf32>
    %reduce_min3A_577 = arith.constant dense<0x7F800000> : vector<512xf32>
    %reduce_min3A_578 = vector.multi_reduction <minimumf>, %select_n3A_575, %reduce_min3A_577 [1] : vector<512x128xf32> to vector<512xf32>
    %broadcast_in_dim3A_579 = vector.shape_cast %reduce_min3A_578 : vector<512xf32> to vector<512x1xf32>
    %eq3A_580 = vector.broadcast %broadcast_in_dim3A_579 : vector<512x1xf32> to vector<512x128xf32>
    %eq3A_581 = arith.cmpf oeq, %select_n3A_575, %eq3A_580 : vector<512x128xf32>
    %jit3A_582 = arith.constant 2.048000e+03 : f32
    %broadcast_in_dim3A_583 = vector.broadcast %jit3A_582 : f32 to vector<512x128xf32>
    %select_n3A_584 = arith.select %eq3A_581, %select_n3A_576, %broadcast_in_dim3A_583 : vector<512x128xi1>, vector<512x128xf32>
    %reduce_min3A_585 = arith.constant dense<0x7F800000> : vector<512xf32>
    %reduce_min3A_586 = vector.multi_reduction <minimumf>, %select_n3A_584, %reduce_min3A_585 [1] : vector<512x128xf32> to vector<512xf32>
    %broadcast_in_dim3A_587 = vector.shape_cast %reduce_min3A_586 : vector<512xf32> to vector<512x1xf32>
    %eq3A_588 = vector.broadcast %broadcast_in_dim3A_587 : vector<512x1xf32> to vector<512x2048xf32>
    %eq3A_589 = arith.cmpf oeq, %convert_element_type3A_70, %eq3A_588 : vector<512x2048xf32>
    %jit3A_590 = arith.constant 0x7F800000 : f32
    %broadcast_in_dim3A_591 = vector.broadcast %jit3A_590 : f32 to vector<512x2048xf32>
    %select_n3A_592 = arith.select %eq3A_589, %broadcast_in_dim3A_591, %select_n3A_548 : vector<512x2048xi1>, vector<512x2048xf32>
    %slice3A_593 = vector.extract_strided_slice %select_n3A_592 {offsets = [0, 0], sizes = [512, 1024], strides = [1, 1]} : vector<512x2048xf32> to vector<512x1024xf32>
    %slice3A_594 = vector.extract_strided_slice %select_n3A_592 {offsets = [0, 1024], sizes = [512, 1024], strides = [1, 1]} : vector<512x2048xf32> to vector<512x1024xf32>
    %slice3A_595 = vector.extract_strided_slice %convert_element_type3A_70 {offsets = [0, 0], sizes = [512, 1024], strides = [1, 1]} : vector<512x2048xf32> to vector<512x1024xf32>
    %slice3A_596 = vector.extract_strided_slice %convert_element_type3A_70 {offsets = [0, 1024], sizes = [512, 1024], strides = [1, 1]} : vector<512x2048xf32> to vector<512x1024xf32>
    %lt3A_597 = arith.cmpf olt, %slice3A_594, %slice3A_593 : vector<512x1024xf32>
    %select_n3A_598 = arith.select %lt3A_597, %slice3A_594, %slice3A_593 : vector<512x1024xi1>, vector<512x1024xf32>
    %select_n3A_599 = arith.select %lt3A_597, %slice3A_596, %slice3A_595 : vector<512x1024xi1>, vector<512x1024xf32>
    %slice3A_600 = vector.extract_strided_slice %select_n3A_598 {offsets = [0, 0], sizes = [512, 512], strides = [1, 1]} : vector<512x1024xf32> to vector<512x512xf32>
    %slice3A_601 = vector.extract_strided_slice %select_n3A_598 {offsets = [0, 512], sizes = [512, 512], strides = [1, 1]} : vector<512x1024xf32> to vector<512x512xf32>
    %slice3A_602 = vector.extract_strided_slice %select_n3A_599 {offsets = [0, 0], sizes = [512, 512], strides = [1, 1]} : vector<512x1024xf32> to vector<512x512xf32>
    %slice3A_603 = vector.extract_strided_slice %select_n3A_599 {offsets = [0, 512], sizes = [512, 512], strides = [1, 1]} : vector<512x1024xf32> to vector<512x512xf32>
    %lt3A_604 = arith.cmpf olt, %slice3A_601, %slice3A_600 : vector<512x512xf32>
    %select_n3A_605 = arith.select %lt3A_604, %slice3A_601, %slice3A_600 : vector<512x512xi1>, vector<512x512xf32>
    %select_n3A_606 = arith.select %lt3A_604, %slice3A_603, %slice3A_602 : vector<512x512xi1>, vector<512x512xf32>
    %slice3A_607 = vector.extract_strided_slice %select_n3A_605 {offsets = [0, 0], sizes = [512, 256], strides = [1, 1]} : vector<512x512xf32> to vector<512x256xf32>
    %slice3A_608 = vector.extract_strided_slice %select_n3A_605 {offsets = [0, 256], sizes = [512, 256], strides = [1, 1]} : vector<512x512xf32> to vector<512x256xf32>
    %slice3A_609 = vector.extract_strided_slice %select_n3A_606 {offsets = [0, 0], sizes = [512, 256], strides = [1, 1]} : vector<512x512xf32> to vector<512x256xf32>
    %slice3A_610 = vector.extract_strided_slice %select_n3A_606 {offsets = [0, 256], sizes = [512, 256], strides = [1, 1]} : vector<512x512xf32> to vector<512x256xf32>
    %lt3A_611 = arith.cmpf olt, %slice3A_608, %slice3A_607 : vector<512x256xf32>
    %select_n3A_612 = arith.select %lt3A_611, %slice3A_608, %slice3A_607 : vector<512x256xi1>, vector<512x256xf32>
    %select_n3A_613 = arith.select %lt3A_611, %slice3A_610, %slice3A_609 : vector<512x256xi1>, vector<512x256xf32>
    %slice3A_614 = vector.extract_strided_slice %select_n3A_612 {offsets = [0, 0], sizes = [512, 128], strides = [1, 1]} : vector<512x256xf32> to vector<512x128xf32>
    %slice3A_615 = vector.extract_strided_slice %select_n3A_612 {offsets = [0, 128], sizes = [512, 128], strides = [1, 1]} : vector<512x256xf32> to vector<512x128xf32>
    %slice3A_616 = vector.extract_strided_slice %select_n3A_613 {offsets = [0, 0], sizes = [512, 128], strides = [1, 1]} : vector<512x256xf32> to vector<512x128xf32>
    %slice3A_617 = vector.extract_strided_slice %select_n3A_613 {offsets = [0, 128], sizes = [512, 128], strides = [1, 1]} : vector<512x256xf32> to vector<512x128xf32>
    %lt3A_618 = arith.cmpf olt, %slice3A_615, %slice3A_614 : vector<512x128xf32>
    %select_n3A_619 = arith.select %lt3A_618, %slice3A_615, %slice3A_614 : vector<512x128xi1>, vector<512x128xf32>
    %select_n3A_620 = arith.select %lt3A_618, %slice3A_617, %slice3A_616 : vector<512x128xi1>, vector<512x128xf32>
    %reduce_min3A_621 = arith.constant dense<0x7F800000> : vector<512xf32>
    %reduce_min3A_622 = vector.multi_reduction <minimumf>, %select_n3A_619, %reduce_min3A_621 [1] : vector<512x128xf32> to vector<512xf32>
    %broadcast_in_dim3A_623 = vector.shape_cast %reduce_min3A_622 : vector<512xf32> to vector<512x1xf32>
    %eq3A_624 = vector.broadcast %broadcast_in_dim3A_623 : vector<512x1xf32> to vector<512x128xf32>
    %eq3A_625 = arith.cmpf oeq, %select_n3A_619, %eq3A_624 : vector<512x128xf32>
    %jit3A_626 = arith.constant 2.048000e+03 : f32
    %broadcast_in_dim3A_627 = vector.broadcast %jit3A_626 : f32 to vector<512x128xf32>
    %select_n3A_628 = arith.select %eq3A_625, %select_n3A_620, %broadcast_in_dim3A_627 : vector<512x128xi1>, vector<512x128xf32>
    %reduce_min3A_629 = arith.constant dense<0x7F800000> : vector<512xf32>
    %reduce_min3A_630 = vector.multi_reduction <minimumf>, %select_n3A_628, %reduce_min3A_629 [1] : vector<512x128xf32> to vector<512xf32>
    %broadcast_in_dim3A_631 = vector.shape_cast %reduce_min3A_630 : vector<512xf32> to vector<512x1xf32>
    %eq3A_632 = vector.broadcast %broadcast_in_dim3A_631 : vector<512x1xf32> to vector<512x2048xf32>
    %eq3A_633 = arith.cmpf oeq, %convert_element_type3A_70, %eq3A_632 : vector<512x2048xf32>
    %jit3A_634 = arith.constant 0x7F800000 : f32
    %broadcast_in_dim3A_635 = vector.broadcast %jit3A_634 : f32 to vector<512x2048xf32>
    %select_n3A_636 = arith.select %eq3A_633, %broadcast_in_dim3A_635, %select_n3A_592 : vector<512x2048xi1>, vector<512x2048xf32>
    %slice3A_637 = vector.extract_strided_slice %select_n3A_636 {offsets = [0, 0], sizes = [512, 1024], strides = [1, 1]} : vector<512x2048xf32> to vector<512x1024xf32>
    %slice3A_638 = vector.extract_strided_slice %select_n3A_636 {offsets = [0, 1024], sizes = [512, 1024], strides = [1, 1]} : vector<512x2048xf32> to vector<512x1024xf32>
    %slice3A_639 = vector.extract_strided_slice %convert_element_type3A_70 {offsets = [0, 0], sizes = [512, 1024], strides = [1, 1]} : vector<512x2048xf32> to vector<512x1024xf32>
    %slice3A_640 = vector.extract_strided_slice %convert_element_type3A_70 {offsets = [0, 1024], sizes = [512, 1024], strides = [1, 1]} : vector<512x2048xf32> to vector<512x1024xf32>
    %lt3A_641 = arith.cmpf olt, %slice3A_638, %slice3A_637 : vector<512x1024xf32>
    %select_n3A_642 = arith.select %lt3A_641, %slice3A_638, %slice3A_637 : vector<512x1024xi1>, vector<512x1024xf32>
    %select_n3A_643 = arith.select %lt3A_641, %slice3A_640, %slice3A_639 : vector<512x1024xi1>, vector<512x1024xf32>
    %slice3A_644 = vector.extract_strided_slice %select_n3A_642 {offsets = [0, 0], sizes = [512, 512], strides = [1, 1]} : vector<512x1024xf32> to vector<512x512xf32>
    %slice3A_645 = vector.extract_strided_slice %select_n3A_642 {offsets = [0, 512], sizes = [512, 512], strides = [1, 1]} : vector<512x1024xf32> to vector<512x512xf32>
    %slice3A_646 = vector.extract_strided_slice %select_n3A_643 {offsets = [0, 0], sizes = [512, 512], strides = [1, 1]} : vector<512x1024xf32> to vector<512x512xf32>
    %slice3A_647 = vector.extract_strided_slice %select_n3A_643 {offsets = [0, 512], sizes = [512, 512], strides = [1, 1]} : vector<512x1024xf32> to vector<512x512xf32>
    %lt3A_648 = arith.cmpf olt, %slice3A_645, %slice3A_644 : vector<512x512xf32>
    %select_n3A_649 = arith.select %lt3A_648, %slice3A_645, %slice3A_644 : vector<512x512xi1>, vector<512x512xf32>
    %select_n3A_650 = arith.select %lt3A_648, %slice3A_647, %slice3A_646 : vector<512x512xi1>, vector<512x512xf32>
    %slice3A_651 = vector.extract_strided_slice %select_n3A_649 {offsets = [0, 0], sizes = [512, 256], strides = [1, 1]} : vector<512x512xf32> to vector<512x256xf32>
    %slice3A_652 = vector.extract_strided_slice %select_n3A_649 {offsets = [0, 256], sizes = [512, 256], strides = [1, 1]} : vector<512x512xf32> to vector<512x256xf32>
    %slice3A_653 = vector.extract_strided_slice %select_n3A_650 {offsets = [0, 0], sizes = [512, 256], strides = [1, 1]} : vector<512x512xf32> to vector<512x256xf32>
    %slice3A_654 = vector.extract_strided_slice %select_n3A_650 {offsets = [0, 256], sizes = [512, 256], strides = [1, 1]} : vector<512x512xf32> to vector<512x256xf32>
    %lt3A_655 = arith.cmpf olt, %slice3A_652, %slice3A_651 : vector<512x256xf32>
    %select_n3A_656 = arith.select %lt3A_655, %slice3A_652, %slice3A_651 : vector<512x256xi1>, vector<512x256xf32>
    %select_n3A_657 = arith.select %lt3A_655, %slice3A_654, %slice3A_653 : vector<512x256xi1>, vector<512x256xf32>
    %slice3A_658 = vector.extract_strided_slice %select_n3A_656 {offsets = [0, 0], sizes = [512, 128], strides = [1, 1]} : vector<512x256xf32> to vector<512x128xf32>
    %slice3A_659 = vector.extract_strided_slice %select_n3A_656 {offsets = [0, 128], sizes = [512, 128], strides = [1, 1]} : vector<512x256xf32> to vector<512x128xf32>
    %slice3A_660 = vector.extract_strided_slice %select_n3A_657 {offsets = [0, 0], sizes = [512, 128], strides = [1, 1]} : vector<512x256xf32> to vector<512x128xf32>
    %slice3A_661 = vector.extract_strided_slice %select_n3A_657 {offsets = [0, 128], sizes = [512, 128], strides = [1, 1]} : vector<512x256xf32> to vector<512x128xf32>
    %lt3A_662 = arith.cmpf olt, %slice3A_659, %slice3A_658 : vector<512x128xf32>
    %select_n3A_663 = arith.select %lt3A_662, %slice3A_659, %slice3A_658 : vector<512x128xi1>, vector<512x128xf32>
    %select_n3A_664 = arith.select %lt3A_662, %slice3A_661, %slice3A_660 : vector<512x128xi1>, vector<512x128xf32>
    %reduce_min3A_665 = arith.constant dense<0x7F800000> : vector<512xf32>
    %reduce_min3A_666 = vector.multi_reduction <minimumf>, %select_n3A_663, %reduce_min3A_665 [1] : vector<512x128xf32> to vector<512xf32>
    %broadcast_in_dim3A_667 = vector.shape_cast %reduce_min3A_666 : vector<512xf32> to vector<512x1xf32>
    %eq3A_668 = vector.broadcast %broadcast_in_dim3A_667 : vector<512x1xf32> to vector<512x128xf32>
    %eq3A_669 = arith.cmpf oeq, %select_n3A_663, %eq3A_668 : vector<512x128xf32>
    %jit3A_670 = arith.constant 2.048000e+03 : f32
    %broadcast_in_dim3A_671 = vector.broadcast %jit3A_670 : f32 to vector<512x128xf32>
    %select_n3A_672 = arith.select %eq3A_669, %select_n3A_664, %broadcast_in_dim3A_671 : vector<512x128xi1>, vector<512x128xf32>
    %reduce_min3A_673 = arith.constant dense<0x7F800000> : vector<512xf32>
    %reduce_min3A_674 = vector.multi_reduction <minimumf>, %select_n3A_672, %reduce_min3A_673 [1] : vector<512x128xf32> to vector<512xf32>
    %broadcast_in_dim3A_675 = vector.shape_cast %reduce_min3A_674 : vector<512xf32> to vector<512x1xf32>
    %eq3A_676 = vector.broadcast %broadcast_in_dim3A_675 : vector<512x1xf32> to vector<512x2048xf32>
    %eq3A_677 = arith.cmpf oeq, %convert_element_type3A_70, %eq3A_676 : vector<512x2048xf32>
    %jit3A_678 = arith.constant 0x7F800000 : f32
    %broadcast_in_dim3A_679 = vector.broadcast %jit3A_678 : f32 to vector<512x2048xf32>
    %select_n3A_680 = arith.select %eq3A_677, %broadcast_in_dim3A_679, %select_n3A_636 : vector<512x2048xi1>, vector<512x2048xf32>
    %slice3A_681 = vector.extract_strided_slice %select_n3A_680 {offsets = [0, 0], sizes = [512, 1024], strides = [1, 1]} : vector<512x2048xf32> to vector<512x1024xf32>
    %slice3A_682 = vector.extract_strided_slice %select_n3A_680 {offsets = [0, 1024], sizes = [512, 1024], strides = [1, 1]} : vector<512x2048xf32> to vector<512x1024xf32>
    %slice3A_683 = vector.extract_strided_slice %convert_element_type3A_70 {offsets = [0, 0], sizes = [512, 1024], strides = [1, 1]} : vector<512x2048xf32> to vector<512x1024xf32>
    %slice3A_684 = vector.extract_strided_slice %convert_element_type3A_70 {offsets = [0, 1024], sizes = [512, 1024], strides = [1, 1]} : vector<512x2048xf32> to vector<512x1024xf32>
    %lt3A_685 = arith.cmpf olt, %slice3A_682, %slice3A_681 : vector<512x1024xf32>
    %select_n3A_686 = arith.select %lt3A_685, %slice3A_682, %slice3A_681 : vector<512x1024xi1>, vector<512x1024xf32>
    %select_n3A_687 = arith.select %lt3A_685, %slice3A_684, %slice3A_683 : vector<512x1024xi1>, vector<512x1024xf32>
    %slice3A_688 = vector.extract_strided_slice %select_n3A_686 {offsets = [0, 0], sizes = [512, 512], strides = [1, 1]} : vector<512x1024xf32> to vector<512x512xf32>
    %slice3A_689 = vector.extract_strided_slice %select_n3A_686 {offsets = [0, 512], sizes = [512, 512], strides = [1, 1]} : vector<512x1024xf32> to vector<512x512xf32>
    %slice3A_690 = vector.extract_strided_slice %select_n3A_687 {offsets = [0, 0], sizes = [512, 512], strides = [1, 1]} : vector<512x1024xf32> to vector<512x512xf32>
    %slice3A_691 = vector.extract_strided_slice %select_n3A_687 {offsets = [0, 512], sizes = [512, 512], strides = [1, 1]} : vector<512x1024xf32> to vector<512x512xf32>
    %lt3A_692 = arith.cmpf olt, %slice3A_689, %slice3A_688 : vector<512x512xf32>
    %select_n3A_693 = arith.select %lt3A_692, %slice3A_689, %slice3A_688 : vector<512x512xi1>, vector<512x512xf32>
    %select_n3A_694 = arith.select %lt3A_692, %slice3A_691, %slice3A_690 : vector<512x512xi1>, vector<512x512xf32>
    %slice3A_695 = vector.extract_strided_slice %select_n3A_693 {offsets = [0, 0], sizes = [512, 256], strides = [1, 1]} : vector<512x512xf32> to vector<512x256xf32>
    %slice3A_696 = vector.extract_strided_slice %select_n3A_693 {offsets = [0, 256], sizes = [512, 256], strides = [1, 1]} : vector<512x512xf32> to vector<512x256xf32>
    %slice3A_697 = vector.extract_strided_slice %select_n3A_694 {offsets = [0, 0], sizes = [512, 256], strides = [1, 1]} : vector<512x512xf32> to vector<512x256xf32>
    %slice3A_698 = vector.extract_strided_slice %select_n3A_694 {offsets = [0, 256], sizes = [512, 256], strides = [1, 1]} : vector<512x512xf32> to vector<512x256xf32>
    %lt3A_699 = arith.cmpf olt, %slice3A_696, %slice3A_695 : vector<512x256xf32>
    %select_n3A_700 = arith.select %lt3A_699, %slice3A_696, %slice3A_695 : vector<512x256xi1>, vector<512x256xf32>
    %select_n3A_701 = arith.select %lt3A_699, %slice3A_698, %slice3A_697 : vector<512x256xi1>, vector<512x256xf32>
    %slice3A_702 = vector.extract_strided_slice %select_n3A_700 {offsets = [0, 0], sizes = [512, 128], strides = [1, 1]} : vector<512x256xf32> to vector<512x128xf32>
    %slice3A_703 = vector.extract_strided_slice %select_n3A_700 {offsets = [0, 128], sizes = [512, 128], strides = [1, 1]} : vector<512x256xf32> to vector<512x128xf32>
    %slice3A_704 = vector.extract_strided_slice %select_n3A_701 {offsets = [0, 0], sizes = [512, 128], strides = [1, 1]} : vector<512x256xf32> to vector<512x128xf32>
    %slice3A_705 = vector.extract_strided_slice %select_n3A_701 {offsets = [0, 128], sizes = [512, 128], strides = [1, 1]} : vector<512x256xf32> to vector<512x128xf32>
    %lt3A_706 = arith.cmpf olt, %slice3A_703, %slice3A_702 : vector<512x128xf32>
    %select_n3A_707 = arith.select %lt3A_706, %slice3A_703, %slice3A_702 : vector<512x128xi1>, vector<512x128xf32>
    %select_n3A_708 = arith.select %lt3A_706, %slice3A_705, %slice3A_704 : vector<512x128xi1>, vector<512x128xf32>
    %reduce_min3A_709 = arith.constant dense<0x7F800000> : vector<512xf32>
    %reduce_min3A_710 = vector.multi_reduction <minimumf>, %select_n3A_707, %reduce_min3A_709 [1] : vector<512x128xf32> to vector<512xf32>
    %broadcast_in_dim3A_711 = vector.shape_cast %reduce_min3A_710 : vector<512xf32> to vector<512x1xf32>
    %eq3A_712 = vector.broadcast %broadcast_in_dim3A_711 : vector<512x1xf32> to vector<512x128xf32>
    %eq3A_713 = arith.cmpf oeq, %select_n3A_707, %eq3A_712 : vector<512x128xf32>
    %jit3A_714 = arith.constant 2.048000e+03 : f32
    %broadcast_in_dim3A_715 = vector.broadcast %jit3A_714 : f32 to vector<512x128xf32>
    %select_n3A_716 = arith.select %eq3A_713, %select_n3A_708, %broadcast_in_dim3A_715 : vector<512x128xi1>, vector<512x128xf32>
    %reduce_min3A_717 = arith.constant dense<0x7F800000> : vector<512xf32>
    %reduce_min3A_718 = vector.multi_reduction <minimumf>, %select_n3A_716, %reduce_min3A_717 [1] : vector<512x128xf32> to vector<512xf32>
    %broadcast_in_dim3A_719 = vector.shape_cast %reduce_min3A_718 : vector<512xf32> to vector<512x1xf32>
    %eq3A_720 = vector.broadcast %broadcast_in_dim3A_719 : vector<512x1xf32> to vector<512x2048xf32>
    %eq3A_721 = arith.cmpf oeq, %convert_element_type3A_70, %eq3A_720 : vector<512x2048xf32>
    %jit3A_722 = arith.constant 0x7F800000 : f32
    %broadcast_in_dim3A_723 = vector.broadcast %jit3A_722 : f32 to vector<512x2048xf32>
    %select_n3A_724 = arith.select %eq3A_721, %broadcast_in_dim3A_723, %select_n3A_680 : vector<512x2048xi1>, vector<512x2048xf32>
    %slice3A_725 = vector.extract_strided_slice %select_n3A_724 {offsets = [0, 0], sizes = [512, 1024], strides = [1, 1]} : vector<512x2048xf32> to vector<512x1024xf32>
    %slice3A_726 = vector.extract_strided_slice %select_n3A_724 {offsets = [0, 1024], sizes = [512, 1024], strides = [1, 1]} : vector<512x2048xf32> to vector<512x1024xf32>
    %slice3A_727 = vector.extract_strided_slice %convert_element_type3A_70 {offsets = [0, 0], sizes = [512, 1024], strides = [1, 1]} : vector<512x2048xf32> to vector<512x1024xf32>
    %slice3A_728 = vector.extract_strided_slice %convert_element_type3A_70 {offsets = [0, 1024], sizes = [512, 1024], strides = [1, 1]} : vector<512x2048xf32> to vector<512x1024xf32>
    %lt3A_729 = arith.cmpf olt, %slice3A_726, %slice3A_725 : vector<512x1024xf32>
    %select_n3A_730 = arith.select %lt3A_729, %slice3A_726, %slice3A_725 : vector<512x1024xi1>, vector<512x1024xf32>
    %select_n3A_731 = arith.select %lt3A_729, %slice3A_728, %slice3A_727 : vector<512x1024xi1>, vector<512x1024xf32>
    %slice3A_732 = vector.extract_strided_slice %select_n3A_730 {offsets = [0, 0], sizes = [512, 512], strides = [1, 1]} : vector<512x1024xf32> to vector<512x512xf32>
    %slice3A_733 = vector.extract_strided_slice %select_n3A_730 {offsets = [0, 512], sizes = [512, 512], strides = [1, 1]} : vector<512x1024xf32> to vector<512x512xf32>
    %slice3A_734 = vector.extract_strided_slice %select_n3A_731 {offsets = [0, 0], sizes = [512, 512], strides = [1, 1]} : vector<512x1024xf32> to vector<512x512xf32>
    %slice3A_735 = vector.extract_strided_slice %select_n3A_731 {offsets = [0, 512], sizes = [512, 512], strides = [1, 1]} : vector<512x1024xf32> to vector<512x512xf32>
    %lt3A_736 = arith.cmpf olt, %slice3A_733, %slice3A_732 : vector<512x512xf32>
    %select_n3A_737 = arith.select %lt3A_736, %slice3A_733, %slice3A_732 : vector<512x512xi1>, vector<512x512xf32>
    %select_n3A_738 = arith.select %lt3A_736, %slice3A_735, %slice3A_734 : vector<512x512xi1>, vector<512x512xf32>
    %slice3A_739 = vector.extract_strided_slice %select_n3A_737 {offsets = [0, 0], sizes = [512, 256], strides = [1, 1]} : vector<512x512xf32> to vector<512x256xf32>
    %slice3A_740 = vector.extract_strided_slice %select_n3A_737 {offsets = [0, 256], sizes = [512, 256], strides = [1, 1]} : vector<512x512xf32> to vector<512x256xf32>
    %slice3A_741 = vector.extract_strided_slice %select_n3A_738 {offsets = [0, 0], sizes = [512, 256], strides = [1, 1]} : vector<512x512xf32> to vector<512x256xf32>
    %slice3A_742 = vector.extract_strided_slice %select_n3A_738 {offsets = [0, 256], sizes = [512, 256], strides = [1, 1]} : vector<512x512xf32> to vector<512x256xf32>
    %lt3A_743 = arith.cmpf olt, %slice3A_740, %slice3A_739 : vector<512x256xf32>
    %select_n3A_744 = arith.select %lt3A_743, %slice3A_740, %slice3A_739 : vector<512x256xi1>, vector<512x256xf32>
    %select_n3A_745 = arith.select %lt3A_743, %slice3A_742, %slice3A_741 : vector<512x256xi1>, vector<512x256xf32>
    %slice3A_746 = vector.extract_strided_slice %select_n3A_744 {offsets = [0, 0], sizes = [512, 128], strides = [1, 1]} : vector<512x256xf32> to vector<512x128xf32>
    %slice3A_747 = vector.extract_strided_slice %select_n3A_744 {offsets = [0, 128], sizes = [512, 128], strides = [1, 1]} : vector<512x256xf32> to vector<512x128xf32>
    %slice3A_748 = vector.extract_strided_slice %select_n3A_745 {offsets = [0, 0], sizes = [512, 128], strides = [1, 1]} : vector<512x256xf32> to vector<512x128xf32>
    %slice3A_749 = vector.extract_strided_slice %select_n3A_745 {offsets = [0, 128], sizes = [512, 128], strides = [1, 1]} : vector<512x256xf32> to vector<512x128xf32>
    %lt3A_750 = arith.cmpf olt, %slice3A_747, %slice3A_746 : vector<512x128xf32>
    %select_n3A_751 = arith.select %lt3A_750, %slice3A_747, %slice3A_746 : vector<512x128xi1>, vector<512x128xf32>
    %select_n3A_752 = arith.select %lt3A_750, %slice3A_749, %slice3A_748 : vector<512x128xi1>, vector<512x128xf32>
    %reduce_min3A_753 = arith.constant dense<0x7F800000> : vector<512xf32>
    %reduce_min3A_754 = vector.multi_reduction <minimumf>, %select_n3A_751, %reduce_min3A_753 [1] : vector<512x128xf32> to vector<512xf32>
    %broadcast_in_dim3A_755 = vector.shape_cast %reduce_min3A_754 : vector<512xf32> to vector<512x1xf32>
    %eq3A_756 = vector.broadcast %broadcast_in_dim3A_755 : vector<512x1xf32> to vector<512x128xf32>
    %eq3A_757 = arith.cmpf oeq, %select_n3A_751, %eq3A_756 : vector<512x128xf32>
    %jit3A_758 = arith.constant 2.048000e+03 : f32
    %broadcast_in_dim3A_759 = vector.broadcast %jit3A_758 : f32 to vector<512x128xf32>
    %select_n3A_760 = arith.select %eq3A_757, %select_n3A_752, %broadcast_in_dim3A_759 : vector<512x128xi1>, vector<512x128xf32>
    %reduce_min3A_761 = arith.constant dense<0x7F800000> : vector<512xf32>
    %reduce_min3A_762 = vector.multi_reduction <minimumf>, %select_n3A_760, %reduce_min3A_761 [1] : vector<512x128xf32> to vector<512xf32>
    %broadcast_in_dim3A_763 = vector.shape_cast %reduce_min3A_762 : vector<512xf32> to vector<512x1xf32>
    %concatenate3A_764 = tpu.concatenate %broadcast_in_dim3A_103, %broadcast_in_dim3A_147, %broadcast_in_dim3A_191, %broadcast_in_dim3A_235, %broadcast_in_dim3A_279, %broadcast_in_dim3A_323, %broadcast_in_dim3A_367, %broadcast_in_dim3A_411, %broadcast_in_dim3A_455, %broadcast_in_dim3A_499, %broadcast_in_dim3A_543, %broadcast_in_dim3A_587, %broadcast_in_dim3A_631, %broadcast_in_dim3A_675, %broadcast_in_dim3A_719, %broadcast_in_dim3A_763 in 1 : vector<512x1xf32>, vector<512x1xf32>, vector<512x1xf32>, vector<512x1xf32>, vector<512x1xf32>, vector<512x1xf32>, vector<512x1xf32>, vector<512x1xf32>, vector<512x1xf32>, vector<512x1xf32>, vector<512x1xf32>, vector<512x1xf32>, vector<512x1xf32>, vector<512x1xf32>, vector<512x1xf32>, vector<512x1xf32> -> vector<512x16xf32>
    %convert_element_type3A_765 = arith.fptosi %concatenate3A_764 : vector<512x16xf32> to vector<512x16xi32>
    %mul3A_766 = arith.constant 2048 : i32
    %mul3A_767 = arith.muli %arg0, %mul3A_766 : i32
    %add3A_768 = vector.broadcast %mul3A_767 : i32 to vector<512x16xi32>
    %add3A_769 = arith.addi %convert_element_type3A_765, %add3A_768 : vector<512x16xi32>
    %swap3A_770 = arith.constant 0 : index
    %swap3A_771 = arith.constant 0 : index
    %swap3A_772 = arith.constant 0 : index
    %swap3A_773 = vector.load %arg12[%swap3A_770, %swap3A_771, %swap3A_772] : memref<1x512x16xi32, #tpu.memory_space<vmem>>, vector<1x512x16xi32>
    %swap3A_774 = vector.shape_cast %swap3A_773 : vector<1x512x16xi32> to vector<512x16xi32>
    %swap3A_775 = vector.shape_cast %add3A_769 : vector<512x16xi32> to vector<1x512x16xi32>
    tpu.vector_store %arg12[%swap3A_770, %swap3A_771, %swap3A_772], %swap3A_775 {strides = array<i32>} : memref<1x512x16xi32, #tpu.memory_space<vmem>>, vector<1x512x16xi32>,
    return
  }
  func.func @transform_0(%arg0: i32, %arg1: i32) -> (i32, i32, i32) {
    %c0_i32 = arith.constant 0 : i32
    %c0_i32_0 = arith.constant 0 : i32
    return %arg0, %arg1, %c0_i32 : i32, i32, i32
  }
  func.func @transform_1(%arg0: i32, %arg1: i32) -> (i32, i32, i32) {
    %c0_i32 = arith.constant 0 : i32
    %c0_i32_0 = arith.constant 0 : i32
    %c0_i32_1 = arith.constant 0 : i32
    return %arg0, %c0_i32, %c0_i32_0 : i32, i32, i32
  }
  func.func @transform_2(%arg0: i32, %arg1: i32) -> (i32, i32, i32) {
    %c0_i32 = arith.constant 0 : i32
    %c0_i32_0 = arith.constant 0 : i32
    return %arg0, %arg1, %c0_i32 : i32, i32, i32
  }
  func.func @transform_3(%arg0: i32, %arg1: i32) -> (i32, i32) {
    %c0_i32 = arith.constant 0 : i32
    %c0_i32_0 = arith.constant 0 : i32
    %c0_i32_1 = arith.constant 0 : i32
    return %c0_i32, %c0_i32_0 : i32, i32
  }
  func.func @transform_4(%arg0: i32, %arg1: i32) -> (i32, i32) {
    %c0_i32 = arith.constant 0 : i32
    %c0_i32_0 = arith.constant 0 : i32
    %c0_i32_1 = arith.constant 0 : i32
    return %c0_i32, %c0_i32_0 : i32, i32
  }
  func.func @transform_5(%arg0: i32, %arg1: i32) -> (i32, i32) {
    %c0_i32 = arith.constant 0 : i32
    %c0_i32_0 = arith.constant 0 : i32
    %c0_i32_1 = arith.constant 0 : i32
    return %c0_i32, %c0_i32_0 : i32, i32
  }
  func.func @transform_6(%arg0: i32, %arg1: i32) -> (i32, i32) {
    %c0_i32 = arith.constant 0 : i32
    %c0_i32_0 = arith.constant 0 : i32
    %c0_i32_1 = arith.constant 0 : i32
    return %c0_i32, %c0_i32_0 : i32, i32
  }
  func.func @transform_7(%arg0: i32, %arg1: i32) -> (i32, i32) {
    %c0_i32 = arith.constant 0 : i32
    %c0_i32_0 = arith.constant 0 : i32
    %c0_i32_1 = arith.constant 0 : i32
    return %c0_i32, %c0_i32_0 : i32, i32
  }
  func.func @transform_8(%arg0: i32, %arg1: i32) -> (i32, i32, i32) {
    %c0_i32 = arith.constant 0 : i32
    %c0_i32_0 = arith.constant 0 : i32
    return %arg0, %arg1, %c0_i32 : i32, i32, i32
  }
  func.func @transform_9(%arg0: i32, %arg1: i32) -> (i32, i32, i32) {
    %c0_i32 = arith.constant 0 : i32
    %c0_i32_0 = arith.constant 0 : i32
    return %arg0, %arg1, %c0_i32 : i32, i32, i32
  }
  func.func @transform_10(%arg0: i32, %arg1: i32) -> (i32, i32, i32) {
    %c0_i32 = arith.constant 0 : i32
    %c0_i32_0 = arith.constant 0 : i32
    return %arg0, %arg1, %c0_i32 : i32, i32, i32
  }
}

module attributes {stable_mosaic.version = 14 : i64} {
  func.func @_stage_b_body(%arg0: i32, %arg1: i32, %arg2: memref<1x256x128xf32, #tpu.memory_space<vmem>>, %arg3: memref<4096x256xf32, #tpu.memory_space<vmem>>, %arg4: memref<1x256x3xf32, #tpu.memory_space<vmem>>, %arg5: memref<1x256x64xf32, #tpu.memory_space<vmem>>, %arg6: memref<3x128xf32, #tpu.memory_space<vmem>>, %arg7: memref<1x128xf32, #tpu.memory_space<vmem>>, %arg8: memref<128x128xf32, #tpu.memory_space<vmem>>, %arg9: memref<1x128xf32, #tpu.memory_space<vmem>>, %arg10: memref<128x128xf32, #tpu.memory_space<vmem>>, %arg11: memref<1x128xf32, #tpu.memory_space<vmem>>, %arg12: memref<128x128xf32, #tpu.memory_space<vmem>>, %arg13: memref<1x128xf32, #tpu.memory_space<vmem>>, %arg14: memref<128x128xf32, #tpu.memory_space<vmem>>, %arg15: memref<1x128xf32, #tpu.memory_space<vmem>>, %arg16: memref<1x128xf32, #tpu.memory_space<vmem>>, %arg17: memref<128x64xf32, #tpu.memory_space<vmem>>, %arg18: memref<1x64xf32, #tpu.memory_space<vmem>>, %arg19: memref<1x64xf32, #tpu.memory_space<vmem>>, %arg20: memref<1x64xf32, #tpu.memory_space<vmem>>, %arg21: memref<1x4x16x32x256xf32, #tpu.memory_space<vmem>>, %arg22: memref<1x64x256xf32, #tpu.memory_space<vmem>>) attributes {dimension_semantics = [#tpu.dimension_semantics<arbitrary>, #tpu.dimension_semantics<arbitrary>], iteration_bounds = array<i64: 8, 8>, scalar_prefetch = 0 : i64, scratch_operands = 0 : i64, tpu.core_type = #tpu.core_type<tc>, window_params = [{transform_indices = @transform_0, window_bounds = array<i64: 1, 256, 128>}, {transform_indices = @transform_1, window_bounds = array<i64: 4096, 256>}, {transform_indices = @transform_2, window_bounds = array<i64: 1, 256, 3>}, {transform_indices = @transform_3, window_bounds = array<i64: 1, 256, 64>}, {pipeline_mode = #tpu.pipeline_mode<synchronous>, transform_indices = @transform_4, window_bounds = array<i64: 3, 128>}, {pipeline_mode = #tpu.pipeline_mode<synchronous>, transform_indices = @transform_5, window_bounds = array<i64: 1, 128>}, {pipeline_mode = #tpu.pipeline_mode<synchronous>, transform_indices = @transform_6, window_bounds = array<i64: 128, 128>}, {pipeline_mode = #tpu.pipeline_mode<synchronous>, transform_indices = @transform_7, window_bounds = array<i64: 1, 128>}, {pipeline_mode = #tpu.pipeline_mode<synchronous>, transform_indices = @transform_8, window_bounds = array<i64: 128, 128>}, {pipeline_mode = #tpu.pipeline_mode<synchronous>, transform_indices = @transform_9, window_bounds = array<i64: 1, 128>}, {pipeline_mode = #tpu.pipeline_mode<synchronous>, transform_indices = @transform_10, window_bounds = array<i64: 128, 128>}, {pipeline_mode = #tpu.pipeline_mode<synchronous>, transform_indices = @transform_11, window_bounds = array<i64: 1, 128>}, {pipeline_mode = #tpu.pipeline_mode<synchronous>, transform_indices = @transform_12, window_bounds = array<i64: 128, 128>}, {pipeline_mode = #tpu.pipeline_mode<synchronous>, transform_indices = @transform_13, window_bounds = array<i64: 1, 128>}, {pipeline_mode = #tpu.pipeline_mode<synchronous>, transform_indices = @transform_14, window_bounds = array<i64: 1, 128>}, {pipeline_mode = #tpu.pipeline_mode<synchronous>, transform_indices = @transform_15, window_bounds = array<i64: 128, 64>}, {pipeline_mode = #tpu.pipeline_mode<synchronous>, transform_indices = @transform_16, window_bounds = array<i64: 1, 64>}, {pipeline_mode = #tpu.pipeline_mode<synchronous>, transform_indices = @transform_17, window_bounds = array<i64: 1, 64>}, {pipeline_mode = #tpu.pipeline_mode<synchronous>, transform_indices = @transform_18, window_bounds = array<i64: 1, 64>}, {transform_indices = @transform_19, window_bounds = array<i64: 1, 4, 16, 32, 256>}, {transform_indices = @transform_20, window_bounds = array<i64: 1, 64, 256>}]} {
    %get3A = arith.constant 0 : index
    %get3A_0 = arith.constant 0 : index
    %get3A_1 = vector.load %arg3[%get3A, %get3A_0] : memref<4096x256xf32, #tpu.memory_space<vmem>>, vector<4096x128xf32>
    %bitcast_convert_type3A = tpu.bitcast %get3A_1 : vector<4096x128xf32> -> vector<4096x128xi32>
    %shift_left3A = arith.constant 16 : i32
    %shift_left3A_2 = vector.broadcast %shift_left3A : i32 to vector<4096x128xi32>
    %shift_left3A_3 = arith.shli %bitcast_convert_type3A, %shift_left3A_2 : vector<4096x128xi32>
    %bitcast_convert_type3A_4 = tpu.bitcast %shift_left3A_3 : vector<4096x128xi32> -> vector<4096x128xf32>
    %and3A = arith.constant -65536 : i32
    %and3A_5 = vector.broadcast %and3A : i32 to vector<4096x128xi32>
    %and3A_6 = arith.andi %bitcast_convert_type3A, %and3A_5 : vector<4096x128xi32>
    %bitcast_convert_type3A_7 = tpu.bitcast %and3A_6 : vector<4096x128xi32> -> vector<4096x128xf32>
    %get3A_8 = arith.constant 0 : index
    %get3A_9 = arith.constant 128 : index
    %get3A_10 = vector.load %arg3[%get3A_8, %get3A_9] : memref<4096x256xf32, #tpu.memory_space<vmem>>, vector<4096x3xf32>
    %get3A_11 = arith.constant 0 : index
    %get3A_12 = arith.constant 0 : index
    %get3A_13 = arith.constant 0 : index
    %get3A_14 = vector.load %arg4[%get3A_11, %get3A_12, %get3A_13] : memref<1x256x3xf32, #tpu.memory_space<vmem>>, vector<1x256x3xf32>
    %get3A_15 = vector.shape_cast %get3A_14 : vector<1x256x3xf32> to vector<256x3xf32>
    %broadcast_in_dim3A = vector.shape_cast %get3A_15 : vector<256x3xf32> to vector<256x1x3xf32>
    %broadcast_in_dim3A_16 = vector.shape_cast %broadcast_in_dim3A : vector<256x1x3xf32> to vector<256x1x3xf32>
    %broadcast_in_dim3A_17 = vector.broadcast %broadcast_in_dim3A_16 : vector<256x1x3xf32> to vector<256x16x3xf32>
    %reshape3A = vector.shape_cast %broadcast_in_dim3A_17 : vector<256x16x3xf32> to vector<4096x3xf32>
    %sub3A = arith.subf %reshape3A, %get3A_10 : vector<4096x3xf32>
    %get3A_18 = arith.constant 0 : index
    %get3A_19 = arith.constant 0 : index
    %get3A_20 = vector.load %arg6[%get3A_18, %get3A_19] : memref<3x128xf32, #tpu.memory_space<vmem>>, vector<3x128xf32>
    %dot_general3A = arith.constant dense<0.000000e+00> : vector<4096x128xf32>
    %dot_general3A_21 = tpu.matmul %sub3A, %get3A_20, %dot_general3A {dimension_numbers = #tpu.dot_dimension_numbers<[1], [0], [0], [1], [0, 0, 1, 1], [], []>, transpose_lhs_hint = false} : vector<4096x3xf32>, vector<3x128xf32>, vector<4096x128xf32> -> vector<4096x128xf32>
    %get3A_22 = arith.constant 0 : index
    %get3A_23 = arith.constant 0 : index
    %get3A_24 = vector.load %arg7[%get3A_22, %get3A_23] : memref<1x128xf32, #tpu.memory_space<vmem>>, vector<1x128xf32>
    %add3A = vector.broadcast %get3A_24 : vector<1x128xf32> to vector<4096x128xf32>
    %add3A_25 = arith.addf %dot_general3A_21, %add3A : vector<4096x128xf32>
    %max3A = arith.constant 0.000000e+00 : f32
    %max3A_26 = vector.broadcast %max3A : f32 to vector<4096x128xf32>
    %max3A_27 = arith.maximumf %add3A_25, %max3A_26 : vector<4096x128xf32>
    %get3A_28 = arith.constant 0 : index
    %get3A_29 = arith.constant 0 : index
    %get3A_30 = vector.load %arg8[%get3A_28, %get3A_29] : memref<128x128xf32, #tpu.memory_space<vmem>>, vector<128x128xf32>
    %dot_general3A_31 = arith.constant dense<0.000000e+00> : vector<4096x128xf32>
    %dot_general3A_32 = tpu.matmul %max3A_27, %get3A_30, %dot_general3A_31 {dimension_numbers = #tpu.dot_dimension_numbers<[1], [0], [0], [1], [0, 0, 1, 1], [], []>, transpose_lhs_hint = false} : vector<4096x128xf32>, vector<128x128xf32>, vector<4096x128xf32> -> vector<4096x128xf32>
    %get3A_33 = arith.constant 0 : index
    %get3A_34 = arith.constant 0 : index
    %get3A_35 = vector.load %arg9[%get3A_33, %get3A_34] : memref<1x128xf32, #tpu.memory_space<vmem>>, vector<1x128xf32>
    %add3A_36 = vector.broadcast %get3A_35 : vector<1x128xf32> to vector<4096x128xf32>
    %add3A_37 = arith.addf %dot_general3A_32, %add3A_36 : vector<4096x128xf32>
    %get3A_38 = arith.constant 0 : index
    %get3A_39 = arith.constant 0 : index
    %get3A_40 = arith.constant 0 : index
    %get3A_41 = vector.load %arg2[%get3A_38, %get3A_39, %get3A_40] : memref<1x256x128xf32, #tpu.memory_space<vmem>>, vector<1x256x128xf32>
    %get3A_42 = vector.shape_cast %get3A_41 : vector<1x256x128xf32> to vector<256x128xf32>
    %broadcast_in_dim3A_43 = vector.shape_cast %get3A_42 : vector<256x128xf32> to vector<256x1x128xf32>
    %broadcast_in_dim3A_44 = vector.shape_cast %broadcast_in_dim3A_43 : vector<256x1x128xf32> to vector<256x1x128xf32>
    %broadcast_in_dim3A_45 = vector.broadcast %broadcast_in_dim3A_44 : vector<256x1x128xf32> to vector<256x16x128xf32>
    %reshape3A_46 = vector.shape_cast %broadcast_in_dim3A_45 : vector<256x16x128xf32> to vector<4096x128xf32>
    %sub3A_47 = arith.subf %reshape3A_46, %bitcast_convert_type3A_4 : vector<4096x128xf32>
    %add3A_48 = arith.addf %sub3A_47, %add3A_37 : vector<4096x128xf32>
    %get3A_49 = arith.constant 0 : index
    %get3A_50 = arith.constant 0 : index
    %get3A_51 = vector.load %arg10[%get3A_49, %get3A_50] : memref<128x128xf32, #tpu.memory_space<vmem>>, vector<128x128xf32>
    %dot_general3A_52 = arith.constant dense<0.000000e+00> : vector<4096x128xf32>
    %dot_general3A_53 = tpu.matmul %add3A_48, %get3A_51, %dot_general3A_52 {dimension_numbers = #tpu.dot_dimension_numbers<[1], [0], [0], [1], [0, 0, 1, 1], [], []>, transpose_lhs_hint = false} : vector<4096x128xf32>, vector<128x128xf32>, vector<4096x128xf32> -> vector<4096x128xf32>
    %get3A_54 = arith.constant 0 : index
    %get3A_55 = arith.constant 0 : index
    %get3A_56 = vector.load %arg11[%get3A_54, %get3A_55] : memref<1x128xf32, #tpu.memory_space<vmem>>, vector<1x128xf32>
    %add3A_57 = vector.broadcast %get3A_56 : vector<1x128xf32> to vector<4096x128xf32>
    %add3A_58 = arith.addf %dot_general3A_53, %add3A_57 : vector<4096x128xf32>
    %max3A_59 = arith.constant 0.000000e+00 : f32
    %max3A_60 = vector.broadcast %max3A_59 : f32 to vector<4096x128xf32>
    %max3A_61 = arith.maximumf %add3A_58, %max3A_60 : vector<4096x128xf32>
    %get3A_62 = arith.constant 0 : index
    %get3A_63 = arith.constant 0 : index
    %get3A_64 = vector.load %arg12[%get3A_62, %get3A_63] : memref<128x128xf32, #tpu.memory_space<vmem>>, vector<128x128xf32>
    %dot_general3A_65 = arith.constant dense<0.000000e+00> : vector<4096x128xf32>
    %dot_general3A_66 = tpu.matmul %max3A_61, %get3A_64, %dot_general3A_65 {dimension_numbers = #tpu.dot_dimension_numbers<[1], [0], [0], [1], [0, 0, 1, 1], [], []>, transpose_lhs_hint = false} : vector<4096x128xf32>, vector<128x128xf32>, vector<4096x128xf32> -> vector<4096x128xf32>
    %get3A_67 = arith.constant 0 : index
    %get3A_68 = arith.constant 0 : index
    %get3A_69 = vector.load %arg13[%get3A_67, %get3A_68] : memref<1x128xf32, #tpu.memory_space<vmem>>, vector<1x128xf32>
    %add3A_70 = vector.broadcast %get3A_69 : vector<1x128xf32> to vector<4096x128xf32>
    %add3A_71 = arith.addf %dot_general3A_66, %add3A_70 : vector<4096x128xf32>
    %mul3A = arith.constant 0.176776692 : f32
    %mul3A_72 = vector.broadcast %mul3A : f32 to vector<4096x128xf32>
    %mul3A_73 = arith.mulf %add3A_71, %mul3A_72 : vector<4096x128xf32>
    %reshape3A_74 = vector.shape_cast %mul3A_73 : vector<4096x128xf32> to vector<256x16x128xf32>
    %reduce_max3A = arith.constant dense<0xFF800000> : vector<256x128xf32>
    %reduce_max3A_75 = vector.multi_reduction <maximumf>, %reshape3A_74, %reduce_max3A [1] : vector<256x16x128xf32> to vector<256x128xf32>
    %broadcast_in_dim3A_76 = vector.shape_cast %reduce_max3A_75 : vector<256x128xf32> to vector<256x1x128xf32>
    %sub3A_77 = vector.broadcast %broadcast_in_dim3A_76 : vector<256x1x128xf32> to vector<256x16x128xf32>
    %sub3A_78 = arith.subf %reshape3A_74, %sub3A_77 : vector<256x16x128xf32>
    %exp3A = math.exp %sub3A_78 : vector<256x16x128xf32>
    %reduce_sum3A = arith.constant dense<0.000000e+00> : vector<256x128xf32>
    %reduce_sum3A_79 = vector.multi_reduction <add>, %exp3A, %reduce_sum3A [1] : vector<256x16x128xf32> to vector<256x128xf32>
    %broadcast_in_dim3A_80 = vector.shape_cast %reduce_sum3A_79 : vector<256x128xf32> to vector<256x1x128xf32>
    %div3A = vector.broadcast %broadcast_in_dim3A_80 : vector<256x1x128xf32> to vector<256x16x128xf32>
    %div3A_81 = arith.divf %exp3A, %div3A : vector<256x16x128xf32>
    %reshape3A_82 = vector.shape_cast %div3A_81 : vector<256x16x128xf32> to vector<256x2048xf32>
    %transpose3A = tpu.transpose %reshape3A_82, [1, 0] : vector<256x2048xf32> -> vector<2048x256xf32>
    %reshape3A_83 = vector.shape_cast %transpose3A : vector<2048x256xf32> to vector<16x128x256xf32>
    %slice3A = vector.extract_strided_slice %reshape3A_83 {offsets = [0, 0, 0], sizes = [16, 32, 256], strides = [1, 1, 1]} : vector<16x128x256xf32> to vector<16x32x256xf32>
    %swap3A = arith.constant 0 : index
    %swap3A_84 = arith.constant 0 : index
    %swap3A_85 = arith.constant 0 : index
    %swap3A_86 = arith.constant 0 : index
    %swap3A_87 = arith.constant 0 : index
    %swap3A_88 = vector.load %arg21[%swap3A, %swap3A_84, %swap3A_85, %swap3A_86, %swap3A_87] : memref<1x4x16x32x256xf32, #tpu.memory_space<vmem>>, vector<1x1x16x32x256xf32>
    %swap3A_89 = vector.shape_cast %swap3A_88 : vector<1x1x16x32x256xf32> to vector<16x32x256xf32>
    %swap3A_90 = vector.shape_cast %slice3A : vector<16x32x256xf32> to vector<1x1x16x32x256xf32>
    tpu.vector_store %arg21[%swap3A, %swap3A_84, %swap3A_85, %swap3A_86, %swap3A_87], %swap3A_90 {strides = array<i32>} : memref<1x4x16x32x256xf32, #tpu.memory_space<vmem>>, vector<1x1x16x32x256xf32>,
    %slice3A_91 = vector.extract_strided_slice %reshape3A_83 {offsets = [0, 32, 0], sizes = [16, 32, 256], strides = [1, 1, 1]} : vector<16x128x256xf32> to vector<16x32x256xf32>
    %swap3A_92 = arith.constant 0 : index
    %swap3A_93 = arith.constant 1 : index
    %swap3A_94 = arith.constant 0 : index
    %swap3A_95 = arith.constant 0 : index
    %swap3A_96 = arith.constant 0 : index
    %swap3A_97 = vector.load %arg21[%swap3A_92, %swap3A_93, %swap3A_94, %swap3A_95, %swap3A_96] : memref<1x4x16x32x256xf32, #tpu.memory_space<vmem>>, vector<1x1x16x32x256xf32>
    %swap3A_98 = vector.shape_cast %swap3A_97 : vector<1x1x16x32x256xf32> to vector<16x32x256xf32>
    %swap3A_99 = vector.shape_cast %slice3A_91 : vector<16x32x256xf32> to vector<1x1x16x32x256xf32>
    tpu.vector_store %arg21[%swap3A_92, %swap3A_93, %swap3A_94, %swap3A_95, %swap3A_96], %swap3A_99 {strides = array<i32>} : memref<1x4x16x32x256xf32, #tpu.memory_space<vmem>>, vector<1x1x16x32x256xf32>,
    %slice3A_100 = vector.extract_strided_slice %reshape3A_83 {offsets = [0, 64, 0], sizes = [16, 32, 256], strides = [1, 1, 1]} : vector<16x128x256xf32> to vector<16x32x256xf32>
    %swap3A_101 = arith.constant 0 : index
    %swap3A_102 = arith.constant 2 : index
    %swap3A_103 = arith.constant 0 : index
    %swap3A_104 = arith.constant 0 : index
    %swap3A_105 = arith.constant 0 : index
    %swap3A_106 = vector.load %arg21[%swap3A_101, %swap3A_102, %swap3A_103, %swap3A_104, %swap3A_105] : memref<1x4x16x32x256xf32, #tpu.memory_space<vmem>>, vector<1x1x16x32x256xf32>
    %swap3A_107 = vector.shape_cast %swap3A_106 : vector<1x1x16x32x256xf32> to vector<16x32x256xf32>
    %swap3A_108 = vector.shape_cast %slice3A_100 : vector<16x32x256xf32> to vector<1x1x16x32x256xf32>
    tpu.vector_store %arg21[%swap3A_101, %swap3A_102, %swap3A_103, %swap3A_104, %swap3A_105], %swap3A_108 {strides = array<i32>} : memref<1x4x16x32x256xf32, #tpu.memory_space<vmem>>, vector<1x1x16x32x256xf32>,
    %slice3A_109 = vector.extract_strided_slice %reshape3A_83 {offsets = [0, 96, 0], sizes = [16, 32, 256], strides = [1, 1, 1]} : vector<16x128x256xf32> to vector<16x32x256xf32>
    %swap3A_110 = arith.constant 0 : index
    %swap3A_111 = arith.constant 3 : index
    %swap3A_112 = arith.constant 0 : index
    %swap3A_113 = arith.constant 0 : index
    %swap3A_114 = arith.constant 0 : index
    %swap3A_115 = vector.load %arg21[%swap3A_110, %swap3A_111, %swap3A_112, %swap3A_113, %swap3A_114] : memref<1x4x16x32x256xf32, #tpu.memory_space<vmem>>, vector<1x1x16x32x256xf32>
    %swap3A_116 = vector.shape_cast %swap3A_115 : vector<1x1x16x32x256xf32> to vector<16x32x256xf32>
    %swap3A_117 = vector.shape_cast %slice3A_109 : vector<16x32x256xf32> to vector<1x1x16x32x256xf32>
    tpu.vector_store %arg21[%swap3A_110, %swap3A_111, %swap3A_112, %swap3A_113, %swap3A_114], %swap3A_117 {strides = array<i32>} : memref<1x4x16x32x256xf32, #tpu.memory_space<vmem>>, vector<1x1x16x32x256xf32>,
    %add3A_118 = arith.addf %bitcast_convert_type3A_7, %add3A_37 : vector<4096x128xf32>
    %reshape3A_119 = vector.shape_cast %add3A_118 : vector<4096x128xf32> to vector<256x16x128xf32>
    %mul3A_120 = arith.mulf %div3A_81, %reshape3A_119 : vector<256x16x128xf32>
    %reduce_sum3A_121 = arith.constant dense<0.000000e+00> : vector<256x128xf32>
    %reduce_sum3A_122 = vector.multi_reduction <add>, %mul3A_120, %reduce_sum3A_121 [1] : vector<256x16x128xf32> to vector<256x128xf32>
    %get3A_123 = arith.constant 0 : index
    %get3A_124 = arith.constant 0 : index
    %get3A_125 = vector.load %arg14[%get3A_123, %get3A_124] : memref<128x128xf32, #tpu.memory_space<vmem>>, vector<128x128xf32>
    %dot_general3A_126 = arith.constant dense<0.000000e+00> : vector<256x128xf32>
    %dot_general3A_127 = tpu.matmul %reduce_sum3A_122, %get3A_125, %dot_general3A_126 {dimension_numbers = #tpu.dot_dimension_numbers<[1], [0], [0], [1], [0, 0, 1, 1], [], []>, transpose_lhs_hint = false} : vector<256x128xf32>, vector<128x128xf32>, vector<256x128xf32> -> vector<256x128xf32>
    %get3A_128 = arith.constant 0 : index
    %get3A_129 = arith.constant 0 : index
    %get3A_130 = vector.load %arg15[%get3A_128, %get3A_129] : memref<1x128xf32, #tpu.memory_space<vmem>>, vector<1x128xf32>
    %get3A_131 = arith.constant 0 : index
    %get3A_132 = arith.constant 0 : index
    %get3A_133 = vector.load %arg16[%get3A_131, %get3A_132] : memref<1x128xf32, #tpu.memory_space<vmem>>, vector<1x128xf32>
    %reduce_sum3A_134 = arith.constant dense<0.000000e+00> : vector<256xf32>
    %reduce_sum3A_135 = vector.multi_reduction <add>, %dot_general3A_127, %reduce_sum3A_134 [1] : vector<256x128xf32> to vector<256xf32>
    %broadcast_in_dim3A_136 = vector.shape_cast %reduce_sum3A_135 : vector<256xf32> to vector<256x1xf32>
    %div3A_137 = arith.constant 1.280000e+02 : f32
    %div3A_138 = vector.broadcast %div3A_137 : f32 to vector<256x1xf32>
    %div3A_139 = arith.divf %broadcast_in_dim3A_136, %div3A_138 : vector<256x1xf32>
    %jit3A = arith.constant 0 : i32
    %reduce_sum3A_140 = arith.constant dense<0.000000e+00> : vector<256xf32>
    %reduce_sum3A_141 = vector.multi_reduction <add>, %dot_general3A_127, %reduce_sum3A_140 [1] : vector<256x128xf32> to vector<256xf32>
    %broadcast_in_dim3A_142 = vector.shape_cast %reduce_sum3A_141 : vector<256xf32> to vector<256x1xf32>
    %div3A_143 = arith.constant 1.280000e+02 : f32
    %div3A_144 = vector.broadcast %div3A_143 : f32 to vector<256x1xf32>
    %div3A_145 = arith.divf %broadcast_in_dim3A_142, %div3A_144 : vector<256x1xf32>
    %sub3A_146 = vector.broadcast %div3A_145 : vector<256x1xf32> to vector<256x128xf32>
    %sub3A_147 = arith.subf %dot_general3A_127, %sub3A_146 : vector<256x128xf32>
    %square3A = arith.mulf %sub3A_147, %sub3A_147 : vector<256x128xf32>
    %convert_element_type3A = arith.sitofp %jit3A : i32 to f32
    %sub3A_148 = arith.constant 1.280000e+02 : f32
    %sub3A_149 = arith.subf %sub3A_148, %convert_element_type3A : f32
    %reduce_sum3A_150 = arith.constant dense<0.000000e+00> : vector<256xf32>
    %reduce_sum3A_151 = vector.multi_reduction <add>, %square3A, %reduce_sum3A_150 [1] : vector<256x128xf32> to vector<256xf32>
    %broadcast_in_dim3A_152 = vector.shape_cast %reduce_sum3A_151 : vector<256xf32> to vector<256x1xf32>
    %div3A_153 = vector.broadcast %sub3A_149 : f32 to vector<256x1xf32>
    %div3A_154 = arith.divf %broadcast_in_dim3A_152, %div3A_153 : vector<256x1xf32>
    %gt3A = arith.constant 0.000000e+00 : f32
    %gt3A_155 = arith.cmpf ogt, %sub3A_149, %gt3A : f32
    %jit3A_156 = arith.constant 0x7FC00000 : f32
    %broadcast_in_dim3A_157 = vector.broadcast %jit3A_156 : f32 to vector<256x1xf32>
    %select_n3A = arith.select %gt3A_155, %div3A_154, %broadcast_in_dim3A_157 : vector<256x1xf32>
    %sub3A_158 = vector.broadcast %div3A_139 : vector<256x1xf32> to vector<256x128xf32>
    %sub3A_159 = arith.subf %dot_general3A_127, %sub3A_158 : vector<256x128xf32>
    %add3A_160 = arith.constant 9.99999974E-6 : f32
    %add3A_161 = vector.broadcast %add3A_160 : f32 to vector<256x1xf32>
    %add3A_162 = arith.addf %select_n3A, %add3A_161 : vector<256x1xf32>
    %sqrt3A = math.sqrt %add3A_162 : vector<256x1xf32>
    %div3A_163 = vector.broadcast %sqrt3A : vector<256x1xf32> to vector<256x128xf32>
    %div3A_164 = arith.divf %sub3A_159, %div3A_163 : vector<256x128xf32>
    %mul3A_165 = vector.broadcast %get3A_130 : vector<1x128xf32> to vector<256x128xf32>
    %mul3A_166 = arith.mulf %div3A_164, %mul3A_165 : vector<256x128xf32>
    %add3A_167 = vector.broadcast %get3A_133 : vector<1x128xf32> to vector<256x128xf32>
    %add3A_168 = arith.addf %mul3A_166, %add3A_167 : vector<256x128xf32>
    %get3A_169 = arith.constant 0 : index
    %get3A_170 = arith.constant 0 : index
    %get3A_171 = vector.load %arg17[%get3A_169, %get3A_170] : memref<128x64xf32, #tpu.memory_space<vmem>>, vector<128x64xf32>
    %dot_general3A_172 = arith.constant dense<0.000000e+00> : vector<256x64xf32>
    %dot_general3A_173 = tpu.matmul %add3A_168, %get3A_171, %dot_general3A_172 {dimension_numbers = #tpu.dot_dimension_numbers<[1], [0], [0], [1], [0, 0, 1, 1], [], []>, transpose_lhs_hint = false} : vector<256x128xf32>, vector<128x64xf32>, vector<256x64xf32> -> vector<256x64xf32>
    %get3A_174 = arith.constant 0 : index
    %get3A_175 = arith.constant 0 : index
    %get3A_176 = vector.load %arg18[%get3A_174, %get3A_175] : memref<1x64xf32, #tpu.memory_space<vmem>>, vector<1x64xf32>
    %add3A_177 = vector.broadcast %get3A_176 : vector<1x64xf32> to vector<256x64xf32>
    %add3A_178 = arith.addf %dot_general3A_173, %add3A_177 : vector<256x64xf32>
    %get3A_179 = arith.constant 0 : index
    %get3A_180 = arith.constant 0 : index
    %get3A_181 = vector.load %arg19[%get3A_179, %get3A_180] : memref<1x64xf32, #tpu.memory_space<vmem>>, vector<1x64xf32>
    %get3A_182 = arith.constant 0 : index
    %get3A_183 = arith.constant 0 : index
    %get3A_184 = vector.load %arg20[%get3A_182, %get3A_183] : memref<1x64xf32, #tpu.memory_space<vmem>>, vector<1x64xf32>
    %reduce_sum3A_185 = arith.constant dense<0.000000e+00> : vector<256xf32>
    %reduce_sum3A_186 = vector.multi_reduction <add>, %add3A_178, %reduce_sum3A_185 [1] : vector<256x64xf32> to vector<256xf32>
    %broadcast_in_dim3A_187 = vector.shape_cast %reduce_sum3A_186 : vector<256xf32> to vector<256x1xf32>
    %div3A_188 = arith.constant 6.400000e+01 : f32
    %div3A_189 = vector.broadcast %div3A_188 : f32 to vector<256x1xf32>
    %div3A_190 = arith.divf %broadcast_in_dim3A_187, %div3A_189 : vector<256x1xf32>
    %jit3A_191 = arith.constant 0 : i32
    %reduce_sum3A_192 = arith.constant dense<0.000000e+00> : vector<256xf32>
    %reduce_sum3A_193 = vector.multi_reduction <add>, %add3A_178, %reduce_sum3A_192 [1] : vector<256x64xf32> to vector<256xf32>
    %broadcast_in_dim3A_194 = vector.shape_cast %reduce_sum3A_193 : vector<256xf32> to vector<256x1xf32>
    %div3A_195 = arith.constant 6.400000e+01 : f32
    %div3A_196 = vector.broadcast %div3A_195 : f32 to vector<256x1xf32>
    %div3A_197 = arith.divf %broadcast_in_dim3A_194, %div3A_196 : vector<256x1xf32>
    %sub3A_198 = vector.broadcast %div3A_197 : vector<256x1xf32> to vector<256x64xf32>
    %sub3A_199 = arith.subf %add3A_178, %sub3A_198 : vector<256x64xf32>
    %square3A_200 = arith.mulf %sub3A_199, %sub3A_199 : vector<256x64xf32>
    %convert_element_type3A_201 = arith.sitofp %jit3A_191 : i32 to f32
    %sub3A_202 = arith.constant 6.400000e+01 : f32
    %sub3A_203 = arith.subf %sub3A_202, %convert_element_type3A_201 : f32
    %reduce_sum3A_204 = arith.constant dense<0.000000e+00> : vector<256xf32>
    %reduce_sum3A_205 = vector.multi_reduction <add>, %square3A_200, %reduce_sum3A_204 [1] : vector<256x64xf32> to vector<256xf32>
    %broadcast_in_dim3A_206 = vector.shape_cast %reduce_sum3A_205 : vector<256xf32> to vector<256x1xf32>
    %div3A_207 = vector.broadcast %sub3A_203 : f32 to vector<256x1xf32>
    %div3A_208 = arith.divf %broadcast_in_dim3A_206, %div3A_207 : vector<256x1xf32>
    %gt3A_209 = arith.constant 0.000000e+00 : f32
    %gt3A_210 = arith.cmpf ogt, %sub3A_203, %gt3A_209 : f32
    %jit3A_211 = arith.constant 0x7FC00000 : f32
    %broadcast_in_dim3A_212 = vector.broadcast %jit3A_211 : f32 to vector<256x1xf32>
    %select_n3A_213 = arith.select %gt3A_210, %div3A_208, %broadcast_in_dim3A_212 : vector<256x1xf32>
    %sub3A_214 = vector.broadcast %div3A_190 : vector<256x1xf32> to vector<256x64xf32>
    %sub3A_215 = arith.subf %add3A_178, %sub3A_214 : vector<256x64xf32>
    %add3A_216 = arith.constant 9.99999974E-6 : f32
    %add3A_217 = vector.broadcast %add3A_216 : f32 to vector<256x1xf32>
    %add3A_218 = arith.addf %select_n3A_213, %add3A_217 : vector<256x1xf32>
    %sqrt3A_219 = math.sqrt %add3A_218 : vector<256x1xf32>
    %div3A_220 = vector.broadcast %sqrt3A_219 : vector<256x1xf32> to vector<256x64xf32>
    %div3A_221 = arith.divf %sub3A_215, %div3A_220 : vector<256x64xf32>
    %mul3A_222 = vector.broadcast %get3A_181 : vector<1x64xf32> to vector<256x64xf32>
    %mul3A_223 = arith.mulf %div3A_221, %mul3A_222 : vector<256x64xf32>
    %add3A_224 = vector.broadcast %get3A_184 : vector<1x64xf32> to vector<256x64xf32>
    %add3A_225 = arith.addf %mul3A_223, %add3A_224 : vector<256x64xf32>
    %get3A_226 = arith.constant 0 : index
    %get3A_227 = arith.constant 0 : index
    %get3A_228 = arith.constant 0 : index
    %get3A_229 = vector.load %arg5[%get3A_226, %get3A_227, %get3A_228] : memref<1x256x64xf32, #tpu.memory_space<vmem>>, vector<1x256x64xf32>
    %get3A_230 = vector.shape_cast %get3A_229 : vector<1x256x64xf32> to vector<256x64xf32>
    %add3A_231 = arith.addf %add3A_225, %get3A_230 : vector<256x64xf32>
    %transpose3A_232 = tpu.transpose %add3A_231, [1, 0] : vector<256x64xf32> -> vector<64x256xf32>
    %swap3A_233 = arith.constant 0 : index
    %swap3A_234 = arith.constant 0 : index
    %swap3A_235 = arith.constant 0 : index
    %swap3A_236 = vector.load %arg22[%swap3A_233, %swap3A_234, %swap3A_235] : memref<1x64x256xf32, #tpu.memory_space<vmem>>, vector<1x64x256xf32>
    %swap3A_237 = vector.shape_cast %swap3A_236 : vector<1x64x256xf32> to vector<64x256xf32>
    %swap3A_238 = vector.shape_cast %transpose3A_232 : vector<64x256xf32> to vector<1x64x256xf32>
    tpu.vector_store %arg22[%swap3A_233, %swap3A_234, %swap3A_235], %swap3A_238 {strides = array<i32>} : memref<1x64x256xf32, #tpu.memory_space<vmem>>, vector<1x64x256xf32>,
    return
  }
  func.func @transform_0(%arg0: i32, %arg1: i32) -> (i32, i32, i32) {
    %c0_i32 = arith.constant 0 : i32
    %c0_i32_0 = arith.constant 0 : i32
    return %arg0, %arg1, %c0_i32 : i32, i32, i32
  }
  func.func @transform_1(%arg0: i32, %arg1: i32) -> (i32, i32) {
    %mul3A = arith.constant 8 : i32
    %mul3A_0 = arith.muli %arg0, %mul3A : i32
    %add3A = arith.addi %mul3A_0, %arg1 : i32
    %c0_i32 = arith.constant 0 : i32
    %c0_i32_1 = arith.constant 0 : i32
    return %add3A, %c0_i32 : i32, i32
  }
  func.func @transform_2(%arg0: i32, %arg1: i32) -> (i32, i32, i32) {
    %c0_i32 = arith.constant 0 : i32
    %c0_i32_0 = arith.constant 0 : i32
    return %arg0, %arg1, %c0_i32 : i32, i32, i32
  }
  func.func @transform_3(%arg0: i32, %arg1: i32) -> (i32, i32, i32) {
    %c0_i32 = arith.constant 0 : i32
    %c0_i32_0 = arith.constant 0 : i32
    return %arg0, %arg1, %c0_i32 : i32, i32, i32
  }
  func.func @transform_4(%arg0: i32, %arg1: i32) -> (i32, i32) {
    %c0_i32 = arith.constant 0 : i32
    %c0_i32_0 = arith.constant 0 : i32
    %c0_i32_1 = arith.constant 0 : i32
    return %c0_i32, %c0_i32_0 : i32, i32
  }
  func.func @transform_5(%arg0: i32, %arg1: i32) -> (i32, i32) {
    %c0_i32 = arith.constant 0 : i32
    %c0_i32_0 = arith.constant 0 : i32
    %c0_i32_1 = arith.constant 0 : i32
    return %c0_i32, %c0_i32_0 : i32, i32
  }
  func.func @transform_6(%arg0: i32, %arg1: i32) -> (i32, i32) {
    %c0_i32 = arith.constant 0 : i32
    %c0_i32_0 = arith.constant 0 : i32
    %c0_i32_1 = arith.constant 0 : i32
    return %c0_i32, %c0_i32_0 : i32, i32
  }
  func.func @transform_7(%arg0: i32, %arg1: i32) -> (i32, i32) {
    %c0_i32 = arith.constant 0 : i32
    %c0_i32_0 = arith.constant 0 : i32
    %c0_i32_1 = arith.constant 0 : i32
    return %c0_i32, %c0_i32_0 : i32, i32
  }
  func.func @transform_8(%arg0: i32, %arg1: i32) -> (i32, i32) {
    %c0_i32 = arith.constant 0 : i32
    %c0_i32_0 = arith.constant 0 : i32
    %c0_i32_1 = arith.constant 0 : i32
    return %c0_i32, %c0_i32_0 : i32, i32
  }
  func.func @transform_9(%arg0: i32, %arg1: i32) -> (i32, i32) {
    %c0_i32 = arith.constant 0 : i32
    %c0_i32_0 = arith.constant 0 : i32
    %c0_i32_1 = arith.constant 0 : i32
    return %c0_i32, %c0_i32_0 : i32, i32
  }
  func.func @transform_10(%arg0: i32, %arg1: i32) -> (i32, i32) {
    %c0_i32 = arith.constant 0 : i32
    %c0_i32_0 = arith.constant 0 : i32
    %c0_i32_1 = arith.constant 0 : i32
    return %c0_i32, %c0_i32_0 : i32, i32
  }
  func.func @transform_11(%arg0: i32, %arg1: i32) -> (i32, i32) {
    %c0_i32 = arith.constant 0 : i32
    %c0_i32_0 = arith.constant 0 : i32
    %c0_i32_1 = arith.constant 0 : i32
    return %c0_i32, %c0_i32_0 : i32, i32
  }
  func.func @transform_12(%arg0: i32, %arg1: i32) -> (i32, i32) {
    %c0_i32 = arith.constant 0 : i32
    %c0_i32_0 = arith.constant 0 : i32
    %c0_i32_1 = arith.constant 0 : i32
    return %c0_i32, %c0_i32_0 : i32, i32
  }
  func.func @transform_13(%arg0: i32, %arg1: i32) -> (i32, i32) {
    %c0_i32 = arith.constant 0 : i32
    %c0_i32_0 = arith.constant 0 : i32
    %c0_i32_1 = arith.constant 0 : i32
    return %c0_i32, %c0_i32_0 : i32, i32
  }
  func.func @transform_14(%arg0: i32, %arg1: i32) -> (i32, i32) {
    %c0_i32 = arith.constant 0 : i32
    %c0_i32_0 = arith.constant 0 : i32
    %c0_i32_1 = arith.constant 0 : i32
    return %c0_i32, %c0_i32_0 : i32, i32
  }
  func.func @transform_15(%arg0: i32, %arg1: i32) -> (i32, i32) {
    %c0_i32 = arith.constant 0 : i32
    %c0_i32_0 = arith.constant 0 : i32
    %c0_i32_1 = arith.constant 0 : i32
    return %c0_i32, %c0_i32_0 : i32, i32
  }
  func.func @transform_16(%arg0: i32, %arg1: i32) -> (i32, i32) {
    %c0_i32 = arith.constant 0 : i32
    %c0_i32_0 = arith.constant 0 : i32
    %c0_i32_1 = arith.constant 0 : i32
    return %c0_i32, %c0_i32_0 : i32, i32
  }
  func.func @transform_17(%arg0: i32, %arg1: i32) -> (i32, i32) {
    %c0_i32 = arith.constant 0 : i32
    %c0_i32_0 = arith.constant 0 : i32
    %c0_i32_1 = arith.constant 0 : i32
    return %c0_i32, %c0_i32_0 : i32, i32
  }
  func.func @transform_18(%arg0: i32, %arg1: i32) -> (i32, i32) {
    %c0_i32 = arith.constant 0 : i32
    %c0_i32_0 = arith.constant 0 : i32
    %c0_i32_1 = arith.constant 0 : i32
    return %c0_i32, %c0_i32_0 : i32, i32
  }
  func.func @transform_19(%arg0: i32, %arg1: i32) -> (i32, i32, i32, i32, i32) {
    %c0_i32 = arith.constant 0 : i32
    %c0_i32_0 = arith.constant 0 : i32
    %c0_i32_1 = arith.constant 0 : i32
    %c0_i32_2 = arith.constant 0 : i32
    return %arg0, %c0_i32, %c0_i32_0, %c0_i32_1, %arg1 : i32, i32, i32, i32, i32
  }
  func.func @transform_20(%arg0: i32, %arg1: i32) -> (i32, i32, i32) {
    %c0_i32 = arith.constant 0 : i32
    %c0_i32_0 = arith.constant 0 : i32
    return %arg0, %c0_i32, %arg1 : i32, i32, i32
  }
}

</mosaic_0001>

<sc_bundles>
// kernel: kernel.5.cloned.1.call-start
scs
__scs_entry_jumppad:
0x0: {  	(pc) =	sbr.rel $0x88, $3  }
0x1: {  	(tag) =	ssettag $0x0;
	lr =	simm.s32 $0x1  }
0x2: {  	[smem:$0x3F8B] =	sst lr;
	_ =	strace $0xD0000000  }
0x3: {  	_ = 	snop  }
0x4: {  	_ = 	snop  }
0x5: {  	_ = 	snop  }
0x6: {  	_ = 	snop  }
0x7: {  	_ = 	snop  }
__scs_overlays_trampoline_lowered:
0x8: {  	[smem:$0x3F9A] =	sst s0  }
0x9: {  	[smem:$0x3F9B] =	sst s1  }
0xa: {  	[smem:$0x3F9C] =	sst s2  }
0xb: {  	[smem:$0x3F9D] =	sst s3  }
0xc: {  	[smem:$0x3F9E] =	sst s4  }
0xd: {  	[smem:$0x3F9F] =	sst s5  }
0xe: {  	[smem:$0x3FA0] =	sst s6  }
0xf: {  	[smem:$0x3FA1] =	sst s7  }
0x10: {  	[smem:$0x3FA2] =	sst s8  }
0x11: {  	[smem:$0x3FA3] =	sst s9;
	s0 =	simm.s32 @!p0 $0x0  }
0x12: {  	s1 =	sld [smem:$0x3F89];
	s0 =	simm.s32 @p0 $0x1  }
0x13: {  	[smem:$0x3FA4] =	sst s0;
	s0 =	simm.s32 @!p1 $0x0  }
0x14: {  	s2 =	sld [smem:$0x3F88];
	s0 =	simm.s32 @p1 $0x1  }
0x15: {  	[smem:$0x3FA5] =	sst s0;
	s0 =	simm.s32 @!p2 $0x0  }
0x16: {  	s3 =	sld [smem:$0x3FDB];
	s0 =	simm.s32 @p2 $0x1  }
0x17: {  	s4 =	simm.s32 $0x1BF5;
	[smem:$0x3FA7] =	sst s0  }
0x18: {  	s0 =	sld [smem:$0x3F8A];
	_ =	swait.ge [sflag:s4], $0x0  }
0x19: {  	s7 =	sld [smem:$0x3F8B]  }
0x1a: {  	s8 =	sadd.s32 $0xFFFFE003, lr  }
0x1b: {  	s9 =	sadd.s32 $0xFFFFFEF7, lr;
	s5 =	simm.s32 $0xFFFFFFFF;
	p2 =	slt.u32 s8, $0xFFFFF086  }
0x1c: {  	p1 =	slt.u32 s9, $0xF7A;
	s5 =	simm.s32 @!p2 $0x0  }
0x1d: {  	s5 =	simm.s32 @p1 $0x1;
	p0 =	seq.s32 s7, s2  }
0x1e: {  	s7 =	smul.u32 @!p0 $0xF7A, s2;
	p2 =	seq.s32 @!p0 s5, $0x0  }
0x1f: {  	s9 =	smul.u32 $0xF7A, s1;
	s8 =	simm.s32 @!p0 $0x1BF5;
	p2 =	por !p2, p0  }
0x20: {  	[sflag:s8] =	ssyncset.s32 @!p0 $0xFFFFF086;
	s6 =	sadd.s32 @!p0 s3, s7;
	s7 =	simm.s32 @!p0 $0x108  }
0x21: {  	s3 =	sadd.s32 s3, s9;
	s6 =	sadd.s32 @!p0 $0x88, s6;
	s7 =	simm.s32 @p2 $0x1082  }
0x22: {  	[simem:s7], [sflag:s8] =	dma.local @!p0 [hbm:s6], $0xF7A  }
0x23: {  	s9 =	sor.u32 $0xD0000000, s2;
	s6 =	simm.s32 $0x108;
	_ =	swait.ge @!p0 [sflag:s8], $0x0  }
0x24: {  	s3 =	sadd.s32 $0x88, s3;
	s6 =	simm.s32 @!p1 $0x1082;
	[sflag:s4] =	ssyncset.s32 $0xFFFFF086  }
0x25: {  	[simem:s6], [sflag:s4] =	dma.local [hbm:s3], $0xF7A  }
0x26: {  	[smem:$0x3F8B] =	sst s1;
	(tag) =	ssettag s2;
	_ =	strace s9  }
0x27: {  	s1 =	sld [smem:$0x3F9B]  }
0x28: {  	s2 =	sld [smem:$0x3F9C]  }
0x29: {  	s4 =	sld [smem:$0x3F9E]  }
0x2a: {  	p0 =	seq.s32 s5, $0x0;
	s5 =	sld [smem:$0x3F9F]  }
0x2b: {  	s6 =	sld [smem:$0x3FA0]  }
0x2c: {  	s7 =	sld [smem:$0x3FA1]  }
0x2d: {  	s3 =	simm.s32 $0x108;
	s8 =	sld [smem:$0x3FA2]  }
0x2e: {  	s3 =	simm.s32 @!p0 $0x1082;
	s9 =	sld [smem:$0x3FA3]  }
0x2f: {  	lr =	sadd.s32 s0, s3;
	s0 =	sld [smem:$0x3F9A]  }
0x30: {  	s3 =	sld [smem:$0x3F9D]  }
0x31: {  	[smem:$0x3FA6] =	sst s10  }
0x32: {  	s10 =	sld [smem:$0x3FA4];
	_ =	sdelay $0x3  }
0x33: {  	p0 =	seq.s32 s10, $0x1;
	s10 =	sld [smem:$0x3FA6];
	_ =	sdelay $0x3  }
0x34: {  	[smem:$0x3FA6] =	sst s10  }
0x35: {  	s10 =	sld [smem:$0x3FA5];
	_ =	sdelay $0x3  }
0x36: {  	p1 =	seq.s32 s10, $0x1;
	s10 =	sld [smem:$0x3FA6];
	_ =	sdelay $0x3  }
0x37: {  	[smem:$0x3FA6] =	sst s10  }
0x38: {  	s10 =	sld [smem:$0x3FA7]  }
0x39: {  	_ = 	snop;
	(pc) =	sbr.ind lr, $3  }
0x3a: {  	_ = 	snop  }
0x3b: {  	_ = 	snop  }
0x3c: {  	p2 =	seq.s32 s10, $0x1;
	s10 =	sld [smem:$0x3FA6]  }
0x3d: {  	_ =	shalt  }
0x3e: {  	_ =	shalt  }
0x3f: {  	_ =	shalt  }
0x40: {  	_ =	shalt  }
0x41: {  	_ =	shalt  }
0x42: {  	_ =	shalt  }
0x43: {  	_ =	shalt  }
0x44: {  	_ =	shalt  }
0x45: {  	_ =	shalt  }
0x46: {  	_ =	shalt  }
0x47: {  	_ =	shalt  }
0x48: {  	_ =	shalt  }
0x49: {  	_ =	shalt  }
0x4a: {  	_ =	shalt  }
0x4b: {  	_ =	shalt  }
0x4c: {  	_ =	shalt  }
0x4d: {  	_ =	shalt  }
0x4e: {  	_ =	shalt  }
0x4f: {  	_ =	shalt  }
0x50: {  	_ =	shalt  }
0x51: {  	_ =	shalt  }
0x52: {  	_ =	shalt  }
0x53: {  	_ =	shalt  }
0x54: {  	_ =	shalt  }
0x55: {  	_ =	shalt  }
0x56: {  	_ =	shalt  }
0x57: {  	_ =	shalt  }
0x58: {  	_ =	shalt  }
0x59: {  	_ =	shalt  }
0x5a: {  	_ =	shalt  }
0x5b: {  	_ =	shalt  }
0x5c: {  	_ =	shalt  }
0x5d: {  	_ =	shalt  }
0x5e: {  	_ =	shalt  }
0x5f: {  	_ =	shalt  }
0x60: {  	_ =	shalt  }
0x61: {  	_ =	shalt  }
0x62: {  	_ =	shalt  }
0x63: {  	_ =	shalt  }
0x64: {  	_ =	shalt  }
0x65: {  	_ =	shalt  }
0x66: {  	_ =	shalt  }
0x67: {  	_ =	shalt  }
0x68: {  	_ =	shalt  }
0x69: {  	_ =	shalt  }
0x6a: {  	_ =	shalt  }
0x6b: {  	_ =	shalt  }
0x6c: {  	_ =	shalt  }
0x6d: {  	_ =	shalt  }
0x6e: {  	_ =	shalt  }
0x6f: {  	_ =	shalt  }
0x70: {  	_ =	shalt  }
0x71: {  	_ =	shalt  }
0x72: {  	_ =	shalt  }
0x73: {  	_ =	shalt  }
0x74: {  	_ =	shalt  }
0x75: {  	_ =	shalt  }
0x76: {  	_ =	shalt  }
0x77: {  	_ =	shalt  }
0x78: {  	_ =	shalt  }
0x79: {  	_ =	shalt  }
0x7a: {  	_ =	shalt  }
0x7b: {  	_ =	shalt  }
0x7c: {  	_ =	shalt  }
0x7d: {  	_ =	shalt  }
0x7e: {  	_ =	shalt  }
0x7f: {  	_ =	shalt  }
0x80: {  	_ =	shalt  }
0x81: {  	_ =	shalt  }
0x82: {  	_ =	shalt  }
0x83: {  	_ =	shalt  }
0x84: {  	_ =	shalt  }
0x85: {  	_ =	shalt  }
0x86: {  	_ =	shalt  }
0x87: {  	_ =	shalt  }
.Lfunc_end0:
.L_simem_size_0:
called_computation_lowered:
.L_overlay_start_0:
0x88: {  	s2 =	sld [smem:$0x3FD9]  }
0x89: {  	s3 =	sld [smem:$0x3FFE];
	_ =	sdelay $0x1  }
0x8a: {  	s1 =	srdreg.scid  }
0x8b: {  	s0 =	sand.u32 $0x1, s1  }
0x8c: {  	s14 =	sshll.u32 s0, $0xA;
	s2 =	sadd.s32 s3, s2  }
0x8d: {  	s2 =	sadd.s32 s2, s14  }
0x8e: {  	[smem:$0x3FB2] =	sst s2  }
0x8f: {  	_ = 	snop  }
0x90: {  	s2 =	sld [smem:$0x3FD0];
	_ =	sdelay $0x2  }
0x91: {  	s15 =	simm.s32 $0xA;
	s4 =	simm.s32 $0x10  }
0x92: {  	[smem:s4], [sflag:s15] =	dma.local [hbm:s2], $0x1  }
0x93: {  	_ =	swait.eq [sflag:s15], $0x1  }
0x94: {  	[sflag:s15] =	ssyncset.done $0x0  }
0x95: {  	s16 =	sld [smem:$0x10];
	[sflag:s15] =	ssyncadd.s32 $0xFFFFFFFF  }
0x96: {  	s17 =	sld [smem:$0x11];
	(tm) =	ssettm $0x1  }
0x97: {  	s18 =	sld [smem:$0x3FFB];
	_ =	sdelay $0x3  }
0x98: {  	_ =	strace s18  }
0x99: {  	s4 =	sld [smem:$0x3FFC];
	_ =	sdelay $0x3  }
0x9a: {  	_ =	strace s4  }
0x9b: {  	s4 =	sld [smem:$0x3FFD];
	_ =	sdelay $0x3  }
0x9c: {  	_ =	strace s4  }
0x9d: {  	_ =	strace $0x8FFFFFFF  }
0x9e: {  	s19 =	sld [smem:$0x3FDB];
	_ =	sdelay $0x1  }
0x9f: {  	s5 =	simm.s32 $_scs_section_size  }
0xa0: {  	s6 =	simm.s32 $_size__tile_overlayer_lowered;
	s7 =	simm.s32 $_tile_overlayer_lowered  }
0xa1: {  	s22 =	simm.s32 $0x1BFF;
	s21 =	sshll.u32 s7, $0x1;
	s4 =	sadd.s32 s5, s19  }
0xa2: {  	s8 =	simm.s32 $0x0;
	s20 =	sshll.u32 s6, $0x1;
	s6 =	sadd.s32 s21, s4  }
0xa3: {  	[timem:s8], [sflag:s22] =	dma.local [hbm:s6], s20  }
0xa4: {  	_ =	swait.ge [sflag:s22], s20  }
0xa5: {  	s5 =	ssub.s32 $0x0, s20;
	[sflag:s22] =	ssyncset.done $0x0  }
0xa6: {  	[sflag:s22] =	ssyncadd.s32 s5;
	_ =	sdelay $0x1  }
0xa7: {  	s23 =	simm.s32 $0x1B8B  }
0xa8: {  	_ =	swait.ge [sflag:s23], $0x1  }
0xa9: {  	[sflag:s23] =	ssyncset.done $0x0  }
0xaa: {  	s25 =	simm.s32 $0x1B8E;
	s24 =	sld [smem:$0x3FFE];
	[sflag:s23] =	ssyncadd.s32 $0xFFFFFFFF  }
0xab: {  	s26 =	simm.s32 $execute0_lowered;
	[smem:$0x3FD2] =	sst s25  }
0xac: {  	s6 =	sshll.u32 s26, $0x1;
	_ =	strace $0x80000046;
	[dreg:$0x1] =	wrdreg $0xFFFFFFFF  }
0xad: {  	s28 =	simm.s32 $_size_execute0_lowered;
	s4 =	sadd.s32 s4, s6;
	[dreg:$0x0] =	wrdreg $0x0  }
0xae: {  	s6 =	sshll.u32 s28, $0x1;
	[dreg:$0x2] =	wrdreg s4  }
0xaf: {  	[dreg:$0x3] =	wrdreg s6  }
0xb0: {  	[dreg:$0x4] =	wrdreg $0xC0  }
0xb1: {  	_ =	task [dreg:s8], $0x5FFFF  }
0xb2: {  	[dreg:$0x1] =	wrdreg $0xFFFFFFFF  }
0xb3: {  	[dreg:$0x0] =	wrdreg $0x60  }
0xb4: {  	[dreg:$0x2] =	wrdreg s17  }
0xb5: {  	[dreg:$0x3] =	wrdreg s16  }
0xb6: {  	[dreg:$0x4] =	wrdreg s24  }
0xb7: {  	[dreg:$0x5] =	wrdreg $0x9  }
0xb8: {  	_ =	task.clear_ibuf [dreg:s8], $0x6FFFF;
	_ =	strace $0x90000046  }
0xb9: {  	s29 =	simm.s32 $0x9;
	_ =	strace $0x80000048  }
0xba: {  	_ =	swait.ge [sflag:s29], $0x1  }
0xbb: {  	[sflag:s29] =	ssyncadd.s32 $0xFFFFFFFF  }
0xbc: {  	_ =	strace $0x90000048  }
0xbd: {  	_ =	sfence  }
0xbe: {  	s30 =	sld [smem:$0x0];
	_ =	sdelay $0x2  }
0xbf: {  	s31 =	sshll.u32 s1, $0xD;
	s1 =	sshrl.u32 s1, $0x2  }
0xc0: {  	s3 =	sand.u32 $0x4000, s31;
	s1 =	sadd.s32 s1, s30  }
0xc1: {  	s0 =	sor.u32 s3, s0;
	s1 =	sshll.u32 s1, $0x11  }
0xc2: {  	s0 =	sor.u32 s1, s0  }
0xc3: {  	s0 =	sadd.s32 $0x8F2B, s0  }
0xc4: {  	[sflag:s0] =	ssyncadd.remote.s32 $0x1  }
0xc5: {  	_ =	sfence.sel $0xFFFF  }
0xc6: {  	[dreg:$0x0] =	wrdreg $0xFFFFFFFF;
	(pc) =	sbr.abs _section_cstart, $3  }
0xc7: {  	[dreg:$0x1] =	wrdreg $0xFFFFFFFF  }
0xc8: {  	_ =	task.clear_ibuf [dreg:s8], $0x2FFFF;
	_ =	strace $0x9FFFFFFF  }
0xc9: {  	(tm) =	ssettm $0x7FFFFFFF  }
tec
execute0_lowered:
.L_overlay_start_1:
0x0: {  	(tag) =	ssettag $0x1  }
0x1: {  	s1 =	rddreg [dreg:$0x0]  }
0x2: {  	s0 =	rddreg [dreg:$0x1]  }
0x3: {  	s2 =	rddreg [dreg:$0x2]  }
0x4: {  	s3 =	simm.s32 $0x0;
	s6 =	stileid.u32;
	s5 =	srdreg.scid  }
0x5: {  	s20 =	simm.s32 $0x8000;
	s21 =	simm.s32 $0x8800;
	s22 =	simm.s32 $0x9000  }
0x6: {  	s23 =	simm.s32 $0x9800;
	s24 =	simm.s32 $0xA000;
	s28 =	simm.s32 $0xB800  }
0x7: {  	s29 =	simm.s32 $0xC000;
	s30 =	simm.s32 $0xC800;
	s31 =	simm.s32 $0xD000  }
0x8: {  	s9 =	simm.s32 $0xF800;
	s10 =	simm.s32 $0x10000;
	s11 =	simm.s32 $0x10800  }
0x9: {  	s12 =	simm.s32 $0x11000;
	s13 =	simm.s32 $0x11800;
	s14 =	simm.s32 $0x1  }
0xa: {  	s15 =	simm.s32 $0x2;
	s17 =	simm.s32 $0x0;
	[smem:$0x7FF] =	sst s3  }
0xb: {  	s4 =	sshll.u32 s6, $0x13;
	s25 =	sand.u32 $0x1, s5;
	s6 =	sshll.u32 s6, $0xE  }
0xc: {  	_ =	strace $0x80000047;
	s2 =	sadd.s32 s4, s2;
	s5 =	ssub.s32 $0x2, s25  }
0xd: {  	s7 =	sshll.u32 s25, $0xD;
	s4 =	sshll.u32 s25, $0x12;
	s25 =	simm.s32 $0xA800  }
0xe: {  	s8 =	sshrl.u32 s5, $0x1;
	s6 =	sor.u32 s7, s6;
	s2 =	sadd.s32 s4, s2  }
.Ltmp0:
0xf: {  	s7 =	simm.s32 $0x3;
	s4 =	simm.s32 $0xE800;
	(pc) =	sbr.rel .LBB2_1-.Ltmp0, $4  }
0x10: {  	s5 =	ssub.s32 s5, s8;
	s6 =	sshrl.u32 s6, $0x3;
	s8 =	simm.s32 $0x2000  }
0x11: {  	v2 =	vlaneseq.u32;
	s0 =	sadd.s32 s0, s6;
	s26 =	smax.u32 s5, $0x1;
	s6 =	sadd.s32 $0xC3A00, s2  }
0x12: {  	vm0 =	vmmov $0xffff;
	v1 =	vshrl.u32 v2, $0x3;
	s2 =	simm.s32 $0xE000;
	s5 =	simm.s32 $0xF000;
	[dreg:$0x4] =	wrdreg s0  }
0x13: {  	v0 =	vand.u32 $0x7, v2;
	v2 =	vor.u32 $0x8, v2;
	v1 =	vmul.u32 $0x8, v1;
	[dreg:$0x5] =	wrdreg s26;
	s26 =	simm.s32 $0xB000;
	s0 =	simm.s32 $0xD800  }
.LBB2_5:
0x14: {  	s17 =	rddreg [dreg:$0x6]  }
0x15: {  	s16 =	rddreg [dreg:$0x5];
	s17 =	sadd.s32 $0x1, s17  }
0x16: {  	p0 =	sne.s32 s17, s16  }
.Ltmp1:
0x17: {  	_ = 	snop;
	(pc) =	sbr.rel @!p0 .LBB2_6-.Ltmp1, $1  }
0x18: {  	_ =	sdelay $0x3  }
.LBB2_1:
0x19: {  	[dreg:$0x6] =	wrdreg s17  }
0x1a: {  	s16 =	rddreg [dreg:$0x4]  }
0x1b: {  	[tilespmem:s3], [sflag:$0x3] =	stream.linear.gather [hbm4b:s16+s3], $0x2000, $0x38;
	[tilespmem:$0x12000] =	vst v63  }
0x1c: {  	_ =	swait.ge [sflag:s7], $0x2000  }
0x1d: {  	[sflag:s7] =	ssyncset.done $0x0  }
0x1e: {  	[sflag:s7] =	ssyncadd.s32 $0xFFFFE000  }
0x1f: {  	v3 =	vld [tilespmem:$0x0];
	_ =	sdelay $0x4  }
0x20: {  	v4 =	vshll.u32 v3, $0x1  }
0x21: {  	v3 =	vand.u32 $0x7, v3;
	v4 =	vand.u32 $0xFFFFFFF0, v4  }
0x22: {  	v3 =	vor.u32 v3, v4  }
0x23: {  	v4 =	vperm.xlane v3, v0;
	_ =	sdelay $0x1  }
0x24: {  	v3 =	vperm.xlane v3, v2;
	v4 =	vadd.s32 v1, v4;
	_ =	sdelay $0x1  }
0x25: {  	v3 =	vadd.s32 v1, v3;
	_ =	sdelay $0x2  }
0x26: {  	[tilespmem:s8], [sflag:$0x1] =	stream.indirect_vreg.gather [hbm4b:s1+s3], $0x80, v4, vm0, $0xb8;
	[tilespmem:$0x12000] =	vst v63  }
0x27: {  	s18 =	simm.s32 $0x2800  }
0x28: {  	[tilespmem:s18], [sflag:$0x1] =	stream.indirect_vreg.gather [hbm4b:s1+s3], $0x80, v3, vm0, $0xb8;
	[tilespmem:$0x12000] =	vst v63  }
0x29: {  	v3 =	vld [tilespmem:$0x10];
	_ =	sdelay $0x4  }
0x2a: {  	v57 =	vshll.u32 v3, $0x1  }
0x2b: {  	v3 =	vand.u32 $0x7, v3;
	v4 =	vand.u32 $0xFFFFFFF0, v57  }
0x2c: {  	v3 =	vor.u32 v3, v4  }
0x2d: {  	v4 =	vperm.xlane v3, v0;
	_ =	sdelay $0x1  }
0x2e: {  	v3 =	vperm.xlane v3, v2;
	v4 =	vadd.s32 v1, v4;
	_ =	sdelay $0x1  }
0x2f: {  	v3 =	vadd.s32 v1, v3;
	_ =	sdelay $0x1  }
0x30: {  	s19 =	simm.s32 $0x3000  }
0x31: {  	[tilespmem:s19], [sflag:$0x1] =	stream.indirect_vreg.gather [hbm4b:s1+s3], $0x80, v4, vm0, $0xb8;
	[tilespmem:$0x12000] =	vst v63  }
0x32: {  	s17 =	simm.s32 $0x3800  }
0x33: {  	[tilespmem:s17], [sflag:$0x1] =	stream.indirect_vreg.gather [hbm4b:s1+s3], $0x80, v3, vm0, $0xb8;
	[tilespmem:$0x12000] =	vst v63  }
0x34: {  	v3 =	vld [tilespmem:$0x20];
	_ =	sdelay $0x4  }
0x35: {  	v58 =	vshll.u32 v3, $0x1  }
0x36: {  	v3 =	vand.u32 $0x7, v3;
	v4 =	vand.u32 $0xFFFFFFF0, v58  }
0x37: {  	v3 =	vor.u32 v3, v4  }
0x38: {  	v4 =	vperm.xlane v3, v0;
	_ =	sdelay $0x1  }
0x39: {  	v3 =	vperm.xlane v3, v2;
	v4 =	vadd.s32 v1, v4;
	_ =	sdelay $0x1  }
0x3a: {  	v3 =	vadd.s32 v1, v3;
	_ =	sdelay $0x1  }
0x3b: {  	s18 =	simm.s32 $0x4000  }
0x3c: {  	[tilespmem:s18], [sflag:$0x1] =	stream.indirect_vreg.gather [hbm4b:s1+s3], $0x80, v4, vm0, $0xb8;
	[tilespmem:$0x12000] =	vst v63  }
0x3d: {  	s19 =	simm.s32 $0x4800  }
0x3e: {  	[tilespmem:s19], [sflag:$0x1] =	stream.indirect_vreg.gather [hbm4b:s1+s3], $0x80, v3, vm0, $0xb8;
	[tilespmem:$0x12000] =	vst v63  }
0x3f: {  	v3 =	vld [tilespmem:$0x30];
	_ =	sdelay $0x4  }
0x40: {  	v59 =	vshll.u32 v3, $0x1  }
0x41: {  	v3 =	vand.u32 $0x7, v3;
	v4 =	vand.u32 $0xFFFFFFF0, v59  }
0x42: {  	v3 =	vor.u32 v3, v4  }
0x43: {  	v4 =	vperm.xlane v3, v0;
	_ =	sdelay $0x1  }
0x44: {  	v3 =	vperm.xlane v3, v2;
	v4 =	vadd.s32 v1, v4;
	_ =	sdelay $0x1  }
0x45: {  	v3 =	vadd.s32 v1, v3;
	_ =	sdelay $0x1  }
0x46: {  	s17 =	simm.s32 $0x5000  }
0x47: {  	[tilespmem:s17], [sflag:$0x1] =	stream.indirect_vreg.gather [hbm4b:s1+s3], $0x80, v4, vm0, $0xb8;
	[tilespmem:$0x12000] =	vst v63  }
0x48: {  	s18 =	simm.s32 $0x5800  }
0x49: {  	[tilespmem:s18], [sflag:$0x1] =	stream.indirect_vreg.gather [hbm4b:s1+s3], $0x80, v3, vm0, $0xb8;
	[tilespmem:$0x12000] =	vst v63  }
0x4a: {  	v3 =	vld [tilespmem:$0x40];
	_ =	sdelay $0x4  }
0x4b: {  	v60 =	vshll.u32 v3, $0x1  }
0x4c: {  	v3 =	vand.u32 $0x7, v3;
	v4 =	vand.u32 $0xFFFFFFF0, v60  }
0x4d: {  	v3 =	vor.u32 v3, v4  }
0x4e: {  	v4 =	vperm.xlane v3, v0;
	_ =	sdelay $0x1  }
0x4f: {  	v3 =	vperm.xlane v3, v2;
	v4 =	vadd.s32 v1, v4;
	_ =	sdelay $0x1  }
0x50: {  	v3 =	vadd.s32 v1, v3;
	_ =	sdelay $0x1  }
0x51: {  	s19 =	simm.s32 $0x6000  }
0x52: {  	[tilespmem:s19], [sflag:$0x1] =	stream.indirect_vreg.gather [hbm4b:s1+s3], $0x80, v4, vm0, $0xb8;
	[tilespmem:$0x12000] =	vst v63  }
0x53: {  	s17 =	simm.s32 $0x6800  }
0x54: {  	[tilespmem:s17], [sflag:$0x1] =	stream.indirect_vreg.gather [hbm4b:s1+s3], $0x80, v3, vm0, $0xb8;
	[tilespmem:$0x12000] =	vst v63  }
0x55: {  	v3 =	vld [tilespmem:$0x50];
	_ =	sdelay $0x4  }
0x56: {  	v61 =	vshll.u32 v3, $0x1  }
0x57: {  	v3 =	vand.u32 $0x7, v3;
	v4 =	vand.u32 $0xFFFFFFF0, v61  }
0x58: {  	v3 =	vor.u32 v3, v4  }
0x59: {  	v4 =	vperm.xlane v3, v0;
	_ =	sdelay $0x1  }
0x5a: {  	v3 =	vperm.xlane v3, v2;
	v4 =	vadd.s32 v1, v4;
	_ =	sdelay $0x1  }
0x5b: {  	v3 =	vadd.s32 v1, v3;
	_ =	sdelay $0x1  }
0x5c: {  	s18 =	simm.s32 $0x7000  }
0x5d: {  	[tilespmem:s18], [sflag:$0x1] =	stream.indirect_vreg.gather [hbm4b:s1+s3], $0x80, v4, vm0, $0xb8;
	[tilespmem:$0x12000] =	vst v63  }
0x5e: {  	s19 =	simm.s32 $0x7800  }
0x5f: {  	[tilespmem:s19], [sflag:$0x1] =	stream.indirect_vreg.gather [hbm4b:s1+s3], $0x80, v3, vm0, $0xb8;
	[tilespmem:$0x12000] =	vst v63  }
0x60: {  	v3 =	vld [tilespmem:$0x60];
	_ =	sdelay $0x4  }
0x61: {  	v62 =	vshll.u32 v3, $0x1  }
0x62: {  	v3 =	vand.u32 $0x7, v3;
	v4 =	vand.u32 $0xFFFFFFF0, v62  }
0x63: {  	v3 =	vor.u32 v3, v4  }
0x64: {  	v4 =	vperm.xlane v3, v0;
	_ =	sdelay $0x1  }
0x65: {  	v3 =	vperm.xlane v3, v2;
	v4 =	vadd.s32 v1, v4;
	_ =	sdelay $0x1  }
0x66: {  	v3 =	vadd.s32 v1, v3;
	_ =	sdelay $0x2  }
0x67: {  	[tilespmem:s20], [sflag:$0x1] =	stream.indirect_vreg.gather [hbm4b:s1+s3], $0x80, v4, vm0, $0xb8;
	[tilespmem:$0x12000] =	vst v63  }
0x68: {  	_ = 	snop  }
0x69: {  	[tilespmem:s21], [sflag:$0x1] =	stream.indirect_vreg.gather [hbm4b:s1+s3], $0x80, v3, vm0, $0xb8;
	[tilespmem:$0x12000] =	vst v63  }
0x6a: {  	v3 =	vld [tilespmem:$0x70];
	_ =	sdelay $0x4  }
0x6b: {  	v63 =	vshll.u32 v3, $0x1  }
0x6c: {  	v3 =	vand.u32 $0x7, v3;
	v4 =	vand.u32 $0xFFFFFFF0, v63  }
0x6d: {  	v3 =	vor.u32 v3, v4  }
0x6e: {  	v4 =	vperm.xlane v3, v0;
	_ =	sdelay $0x1  }
0x6f: {  	v3 =	vperm.xlane v3, v2;
	v4 =	vadd.s32 v1, v4;
	_ =	sdelay $0x1  }
0x70: {  	v3 =	vadd.s32 v1, v3  }
.Ltmp2:
0x71: {  	_ = 	snop;
	(pc) =	sbr.rel .LBB2_2-.Ltmp2, $4  }
0x72: {  	_ = 	snop  }
0x73: {  	[tilespmem:s22], [sflag:$0x1] =	stream.indirect_vreg.gather [hbm4b:s1+s3], $0x80, v4, vm0, $0xb8;
	[tilespmem:$0x12000] =	vst v63  }
0x74: {  	s16 =	simm.s32 $0xC0;
	s17 =	simm.s32 $0x0  }
0x75: {  	[tilespmem:s23], [sflag:$0x1] =	stream.indirect_vreg.gather [hbm4b:s1+s3], $0x80, v3, vm0, $0xb8;
	[tilespmem:$0x12000] =	vst v63  }
.LBB2_4:
0x76: {  	_ =	swait.ge [sflag:s15], $0x8000;
	s17 =	sadd.s32 $0x2000, s17  }
0x77: {  	[sflag:s15] =	ssyncset.done $0x0;
	p0 =	sne.s32 s17, $0x40000  }
.Ltmp3:
0x78: {  	s18 =	sadd.s32 $0x1000, s18;
	[sflag:s15] =	ssyncadd.s32 $0xFFFF8000;
	(pc) =	sbr.rel @!p0 .LBB2_5-.Ltmp3, $4  }
0x79: {  	[hbm4b:s18+s3] =	stream.linear.scatter [tilespmem:s24], [sflag:$0x3], $0x8000, $0x38;
	[tilespmem:$0x12000] =	vst v63  }
0x7a: {  	_ =	swait.ge [sflag:s7], $0x8000  }
0x7b: {  	[sflag:s7] =	ssyncset.done $0x0  }
0x7c: {  	s16 =	sadd.s32 $0x100, s16;
	[sflag:s7] =	ssyncadd.s32 $0xFFFF8000  }
.LBB2_2:
0x7d: {  	v3 =	vld [tilespmem:s16+$0xFFFFFFC0];
	_ =	sdelay $0x4  }
0x7e: {  	v4 =	vshll.u32 v3, $0x1  }
0x7f: {  	v3 =	vand.u32 $0x7, v3;
	v4 =	vand.u32 $0xFFFFFFF0, v4  }
0x80: {  	v3 =	vor.u32 v3, v4  }
0x81: {  	v4 =	vperm.xlane v3, v0;
	_ =	sdelay $0x1  }
0x82: {  	v3 =	vperm.xlane v3, v2;
	v4 =	vadd.s32 v1, v4;
	_ =	sdelay $0x1  }
0x83: {  	v3 =	vadd.s32 v1, v3;
	_ =	sdelay $0x2  }
0x84: {  	[tilespmem:s24], [sflag:$0x2] =	stream.indirect_vreg.gather [hbm4b:s1+s3], $0x80, v4, vm0, $0xb8;
	[tilespmem:$0x12000] =	vst v63  }
0x85: {  	_ = 	snop  }
0x86: {  	[tilespmem:s25], [sflag:$0x2] =	stream.indirect_vreg.gather [hbm4b:s1+s3], $0x80, v3, vm0, $0xb8;
	[tilespmem:$0x12000] =	vst v63  }
0x87: {  	v3 =	vld [tilespmem:s16+$0xFFFFFFD0];
	_ =	sdelay $0x4  }
0x88: {  	v57 =	vshll.u32 v3, $0x1  }
0x89: {  	v3 =	vand.u32 $0x7, v3;
	v4 =	vand.u32 $0xFFFFFFF0, v57  }
0x8a: {  	v3 =	vor.u32 v3, v4  }
0x8b: {  	v4 =	vperm.xlane v3, v0;
	_ =	sdelay $0x1  }
0x8c: {  	v3 =	vperm.xlane v3, v2;
	v4 =	vadd.s32 v1, v4;
	_ =	sdelay $0x1  }
0x8d: {  	v3 =	vadd.s32 v1, v3;
	_ =	sdelay $0x2  }
0x8e: {  	[tilespmem:s26], [sflag:$0x2] =	stream.indirect_vreg.gather [hbm4b:s1+s3], $0x80, v4, vm0, $0xb8;
	[tilespmem:$0x12000] =	vst v63  }
0x8f: {  	_ = 	snop  }
0x90: {  	[tilespmem:s28], [sflag:$0x2] =	stream.indirect_vreg.gather [hbm4b:s1+s3], $0x80, v3, vm0, $0xb8;
	[tilespmem:$0x12000] =	vst v63  }
0x91: {  	v3 =	vld [tilespmem:s16+$0xFFFFFFE0];
	_ =	sdelay $0x4  }
0x92: {  	v58 =	vshll.u32 v3, $0x1  }
0x93: {  	v3 =	vand.u32 $0x7, v3;
	v4 =	vand.u32 $0xFFFFFFF0, v58  }
0x94: {  	v3 =	vor.u32 v3, v4  }
0x95: {  	v4 =	vperm.xlane v3, v0;
	_ =	sdelay $0x1  }
0x96: {  	v3 =	vperm.xlane v3, v2;
	v4 =	vadd.s32 v1, v4;
	_ =	sdelay $0x1  }
0x97: {  	v3 =	vadd.s32 v1, v3;
	_ =	sdelay $0x2  }
0x98: {  	[tilespmem:s29], [sflag:$0x2] =	stream.indirect_vreg.gather [hbm4b:s1+s3], $0x80, v4, vm0, $0xb8;
	[tilespmem:$0x12000] =	vst v63  }
0x99: {  	_ = 	snop  }
0x9a: {  	[tilespmem:s30], [sflag:$0x2] =	stream.indirect_vreg.gather [hbm4b:s1+s3], $0x80, v3, vm0, $0xb8;
	[tilespmem:$0x12000] =	vst v63  }
0x9b: {  	v3 =	vld [tilespmem:s16+$0xFFFFFFF0];
	_ =	sdelay $0x4  }
0x9c: {  	v59 =	vshll.u32 v3, $0x1  }
0x9d: {  	v3 =	vand.u32 $0x7, v3;
	v4 =	vand.u32 $0xFFFFFFF0, v59  }
0x9e: {  	v3 =	vor.u32 v3, v4  }
0x9f: {  	v4 =	vperm.xlane v3, v0;
	_ =	sdelay $0x1  }
0xa0: {  	v3 =	vperm.xlane v3, v2;
	v4 =	vadd.s32 v1, v4;
	_ =	sdelay $0x1  }
0xa1: {  	v3 =	vadd.s32 v1, v3;
	_ =	sdelay $0x2  }
0xa2: {  	[tilespmem:s31], [sflag:$0x2] =	stream.indirect_vreg.gather [hbm4b:s1+s3], $0x80, v4, vm0, $0xb8;
	[tilespmem:$0x12000] =	vst v63  }
0xa3: {  	_ = 	snop  }
0xa4: {  	[tilespmem:s0], [sflag:$0x2] =	stream.indirect_vreg.gather [hbm4b:s1+s3], $0x80, v3, vm0, $0xb8;
	[tilespmem:$0x12000] =	vst v63  }
0xa5: {  	v3 =	vld [tilespmem:s16+$0x0];
	_ =	sdelay $0x4  }
0xa6: {  	v60 =	vshll.u32 v3, $0x1  }
0xa7: {  	v3 =	vand.u32 $0x7, v3;
	v4 =	vand.u32 $0xFFFFFFF0, v60  }
0xa8: {  	v3 =	vor.u32 v3, v4  }
0xa9: {  	v4 =	vperm.xlane v3, v0;
	_ =	sdelay $0x1  }
0xaa: {  	v3 =	vperm.xlane v3, v2;
	v4 =	vadd.s32 v1, v4;
	_ =	sdelay $0x1  }
0xab: {  	v3 =	vadd.s32 v1, v3;
	_ =	sdelay $0x2  }
0xac: {  	[tilespmem:s2], [sflag:$0x2] =	stream.indirect_vreg.gather [hbm4b:s1+s3], $0x80, v4, vm0, $0xb8;
	[tilespmem:$0x12000] =	vst v63  }
0xad: {  	_ = 	snop  }
0xae: {  	[tilespmem:s4], [sflag:$0x2] =	stream.indirect_vreg.gather [hbm4b:s1+s3], $0x80, v3, vm0, $0xb8;
	[tilespmem:$0x12000] =	vst v63  }
0xaf: {  	v3 =	vld [tilespmem:s16+$0x10];
	_ =	sdelay $0x4  }
0xb0: {  	v61 =	vshll.u32 v3, $0x1  }
0xb1: {  	v3 =	vand.u32 $0x7, v3;
	v4 =	vand.u32 $0xFFFFFFF0, v61  }
0xb2: {  	v3 =	vor.u32 v3, v4  }
0xb3: {  	v4 =	vperm.xlane v3, v0;
	_ =	sdelay $0x1  }
0xb4: {  	v3 =	vperm.xlane v3, v2;
	v4 =	vadd.s32 v1, v4;
	_ =	sdelay $0x1  }
0xb5: {  	v3 =	vadd.s32 v1, v3;
	_ =	sdelay $0x2  }
0xb6: {  	[tilespmem:s5], [sflag:$0x2] =	stream.indirect_vreg.gather [hbm4b:s1+s3], $0x80, v4, vm0, $0xb8;
	[tilespmem:$0x12000] =	vst v63  }
0xb7: {  	_ = 	snop  }
0xb8: {  	[tilespmem:s9], [sflag:$0x2] =	stream.indirect_vreg.gather [hbm4b:s1+s3], $0x80, v3, vm0, $0xb8;
	[tilespmem:$0x12000] =	vst v63  }
0xb9: {  	v3 =	vld [tilespmem:s16+$0x20];
	_ =	sdelay $0x4  }
0xba: {  	v62 =	vshll.u32 v3, $0x1  }
0xbb: {  	v3 =	vand.u32 $0x7, v3;
	v4 =	vand.u32 $0xFFFFFFF0, v62  }
0xbc: {  	v3 =	vor.u32 v3, v4  }
0xbd: {  	v4 =	vperm.xlane v3, v0;
	_ =	sdelay $0x1  }
0xbe: {  	v3 =	vperm.xlane v3, v2;
	v4 =	vadd.s32 v1, v4;
	_ =	sdelay $0x1  }
0xbf: {  	v3 =	vadd.s32 v1, v3;
	_ =	sdelay $0x2  }
0xc0: {  	[tilespmem:s10], [sflag:$0x2] =	stream.indirect_vreg.gather [hbm4b:s1+s3], $0x80, v4, vm0, $0xb8;
	[tilespmem:$0x12000] =	vst v63  }
0xc1: {  	_ = 	snop  }
0xc2: {  	[tilespmem:s11], [sflag:$0x2] =	stream.indirect_vreg.gather [hbm4b:s1+s3], $0x80, v3, vm0, $0xb8;
	[tilespmem:$0x12000] =	vst v63  }
0xc3: {  	v3 =	vld [tilespmem:s16+$0x30];
	_ =	sdelay $0x4  }
0xc4: {  	v63 =	vshll.u32 v3, $0x1  }
0xc5: {  	v3 =	vand.u32 $0x7, v3;
	v4 =	vand.u32 $0xFFFFFFF0, v63  }
0xc6: {  	v3 =	vor.u32 v3, v4  }
0xc7: {  	v4 =	vperm.xlane v3, v0;
	_ =	sdelay $0x1  }
0xc8: {  	v3 =	vperm.xlane v3, v2;
	v4 =	vadd.s32 v1, v4;
	_ =	sdelay $0x1  }
0xc9: {  	v3 =	vadd.s32 v1, v3;
	_ =	sdelay $0x2  }
0xca: {  	[tilespmem:s12], [sflag:$0x2] =	stream.indirect_vreg.gather [hbm4b:s1+s3], $0x80, v4, vm0, $0xb8;
	[tilespmem:$0x12000] =	vst v63  }
0xcb: {  	_ = 	snop  }
0xcc: {  	[tilespmem:s13], [sflag:$0x2] =	stream.indirect_vreg.gather [hbm4b:s1+s3], $0x80, v3, vm0, $0xb8;
	[tilespmem:$0x12000] =	vst v63  }
0xcd: {  	_ =	swait.ge [sflag:s14], $0x8000  }
0xce: {  	p0 =	seq.s32 s17, $0x3E000;
	[sflag:s14] =	ssyncset.done $0x0  }
.Ltmp4:
0xcf: {  	s18 =	sadd.s32 s17, s6;
	[sflag:s14] =	ssyncadd.s32 $0xFFFF8000;
	(pc) =	sbr.rel @p0 .LBB2_4-.Ltmp4, $4  }
0xd0: {  	[hbm4b:s18+s3] =	stream.linear.scatter [tilespmem:s8], [sflag:$0x3], $0x8000, $0x38;
	[tilespmem:$0x12000] =	vst v63  }
0xd1: {  	_ =	swait.ge [sflag:s7], $0x8000  }
0xd2: {  	[sflag:s7] =	ssyncset.done $0x0  }
0xd3: {  	[sflag:s7] =	ssyncadd.s32 $0xFFFF8000  }
0xd4: {  	v3 =	vld [tilespmem:s16+$0x40];
	_ =	sdelay $0x4  }
0xd5: {  	v4 =	vshll.u32 v3, $0x1  }
0xd6: {  	v3 =	vand.u32 $0x7, v3;
	v4 =	vand.u32 $0xFFFFFFF0, v4  }
0xd7: {  	v3 =	vor.u32 v3, v4  }
0xd8: {  	v4 =	vperm.xlane v3, v0;
	_ =	sdelay $0x1  }
0xd9: {  	v3 =	vperm.xlane v3, v2;
	v4 =	vadd.s32 v1, v4;
	_ =	sdelay $0x1  }
0xda: {  	v3 =	vadd.s32 v1, v3;
	_ =	sdelay $0x2  }
0xdb: {  	[tilespmem:s8], [sflag:$0x1] =	stream.indirect_vreg.gather [hbm4b:s1+s3], $0x80, v4, vm0, $0xb8;
	[tilespmem:$0x12000] =	vst v63  }
0xdc: {  	s19 =	simm.s32 $0x2800  }
0xdd: {  	[tilespmem:s19], [sflag:$0x1] =	stream.indirect_vreg.gather [hbm4b:s1+s3], $0x80, v3, vm0, $0xb8;
	[tilespmem:$0x12000] =	vst v63  }
0xde: {  	v3 =	vld [tilespmem:s16+$0x50];
	_ =	sdelay $0x4  }
0xdf: {  	v57 =	vshll.u32 v3, $0x1  }
0xe0: {  	v3 =	vand.u32 $0x7, v3;
	v4 =	vand.u32 $0xFFFFFFF0, v57  }
0xe1: {  	v3 =	vor.u32 v3, v4  }
0xe2: {  	v4 =	vperm.xlane v3, v0;
	_ =	sdelay $0x1  }
0xe3: {  	v3 =	vperm.xlane v3, v2;
	v4 =	vadd.s32 v1, v4;
	_ =	sdelay $0x1  }
0xe4: {  	v3 =	vadd.s32 v1, v3;
	_ =	sdelay $0x1  }
0xe5: {  	s19 =	simm.s32 $0x3000  }
0xe6: {  	[tilespmem:s19], [sflag:$0x1] =	stream.indirect_vreg.gather [hbm4b:s1+s3], $0x80, v4, vm0, $0xb8;
	[tilespmem:$0x12000] =	vst v63  }
0xe7: {  	s19 =	simm.s32 $0x3800  }
0xe8: {  	[tilespmem:s19], [sflag:$0x1] =	stream.indirect_vreg.gather [hbm4b:s1+s3], $0x80, v3, vm0, $0xb8;
	[tilespmem:$0x12000] =	vst v63  }
0xe9: {  	v3 =	vld [tilespmem:s16+$0x60];
	_ =	sdelay $0x4  }
0xea: {  	v58 =	vshll.u32 v3, $0x1  }
0xeb: {  	v3 =	vand.u32 $0x7, v3;
	v4 =	vand.u32 $0xFFFFFFF0, v58  }
0xec: {  	v3 =	vor.u32 v3, v4  }
0xed: {  	v4 =	vperm.xlane v3, v0;
	_ =	sdelay $0x1  }
0xee: {  	v3 =	vperm.xlane v3, v2;
	v4 =	vadd.s32 v1, v4;
	_ =	sdelay $0x1  }
0xef: {  	v3 =	vadd.s32 v1, v3;
	_ =	sdelay $0x1  }
0xf0: {  	s19 =	simm.s32 $0x4000  }
0xf1: {  	[tilespmem:s19], [sflag:$0x1] =	stream.indirect_vreg.gather [hbm4b:s1+s3], $0x80, v4, vm0, $0xb8;
	[tilespmem:$0x12000] =	vst v63  }
0xf2: {  	s19 =	simm.s32 $0x4800  }
0xf3: {  	[tilespmem:s19], [sflag:$0x1] =	stream.indirect_vreg.gather [hbm4b:s1+s3], $0x80, v3, vm0, $0xb8;
	[tilespmem:$0x12000] =	vst v63  }
0xf4: {  	v3 =	vld [tilespmem:s16+$0x70];
	_ =	sdelay $0x4  }
0xf5: {  	v59 =	vshll.u32 v3, $0x1  }
0xf6: {  	v3 =	vand.u32 $0x7, v3;
	v4 =	vand.u32 $0xFFFFFFF0, v59  }
0xf7: {  	v3 =	vor.u32 v3, v4  }
0xf8: {  	v4 =	vperm.xlane v3, v0;
	_ =	sdelay $0x1  }
0xf9: {  	v3 =	vperm.xlane v3, v2;
	v4 =	vadd.s32 v1, v4;
	_ =	sdelay $0x1  }
0xfa: {  	v3 =	vadd.s32 v1, v3;
	_ =	sdelay $0x1  }
0xfb: {  	s19 =	simm.s32 $0x5000  }
0xfc: {  	[tilespmem:s19], [sflag:$0x1] =	stream.indirect_vreg.gather [hbm4b:s1+s3], $0x80, v4, vm0, $0xb8;
	[tilespmem:$0x12000] =	vst v63  }
0xfd: {  	s19 =	simm.s32 $0x5800  }
0xfe: {  	[tilespmem:s19], [sflag:$0x1] =	stream.indirect_vreg.gather [hbm4b:s1+s3], $0x80, v3, vm0, $0xb8;
	[tilespmem:$0x12000] =	vst v63  }
0xff: {  	v3 =	vld [tilespmem:s16+$0x80];
	_ =	sdelay $0x4  }
0x100: {  	v60 =	vshll.u32 v3, $0x1  }
0x101: {  	v3 =	vand.u32 $0x7, v3;
	v4 =	vand.u32 $0xFFFFFFF0, v60  }
0x102: {  	v3 =	vor.u32 v3, v4  }
0x103: {  	v4 =	vperm.xlane v3, v0;
	_ =	sdelay $0x1  }
0x104: {  	v3 =	vperm.xlane v3, v2;
	v4 =	vadd.s32 v1, v4;
	_ =	sdelay $0x1  }
0x105: {  	v3 =	vadd.s32 v1, v3;
	_ =	sdelay $0x1  }
0x106: {  	s19 =	simm.s32 $0x6000  }
0x107: {  	[tilespmem:s19], [sflag:$0x1] =	stream.indirect_vreg.gather [hbm4b:s1+s3], $0x80, v4, vm0, $0xb8;
	[tilespmem:$0x12000] =	vst v63  }
0x108: {  	s19 =	simm.s32 $0x6800  }
0x109: {  	[tilespmem:s19], [sflag:$0x1] =	stream.indirect_vreg.gather [hbm4b:s1+s3], $0x80, v3, vm0, $0xb8;
	[tilespmem:$0x12000] =	vst v63  }
0x10a: {  	v3 =	vld [tilespmem:s16+$0x90];
	_ =	sdelay $0x4  }
0x10b: {  	v61 =	vshll.u32 v3, $0x1  }
0x10c: {  	v3 =	vand.u32 $0x7, v3;
	v4 =	vand.u32 $0xFFFFFFF0, v61  }
0x10d: {  	v3 =	vor.u32 v3, v4  }
0x10e: {  	v4 =	vperm.xlane v3, v0;
	_ =	sdelay $0x1  }
0x10f: {  	v3 =	vperm.xlane v3, v2;
	v4 =	vadd.s32 v1, v4;
	_ =	sdelay $0x1  }
0x110: {  	v3 =	vadd.s32 v1, v3;
	_ =	sdelay $0x1  }
0x111: {  	s19 =	simm.s32 $0x7000  }
0x112: {  	[tilespmem:s19], [sflag:$0x1] =	stream.indirect_vreg.gather [hbm4b:s1+s3], $0x80, v4, vm0, $0xb8;
	[tilespmem:$0x12000] =	vst v63  }
0x113: {  	s19 =	simm.s32 $0x7800  }
0x114: {  	[tilespmem:s19], [sflag:$0x1] =	stream.indirect_vreg.gather [hbm4b:s1+s3], $0x80, v3, vm0, $0xb8;
	[tilespmem:$0x12000] =	vst v63  }
0x115: {  	v3 =	vld [tilespmem:s16+$0xA0];
	_ =	sdelay $0x4  }
0x116: {  	v62 =	vshll.u32 v3, $0x1  }
0x117: {  	v3 =	vand.u32 $0x7, v3;
	v4 =	vand.u32 $0xFFFFFFF0, v62  }
0x118: {  	v3 =	vor.u32 v3, v4  }
0x119: {  	v4 =	vperm.xlane v3, v0;
	_ =	sdelay $0x1  }
0x11a: {  	v3 =	vperm.xlane v3, v2;
	v4 =	vadd.s32 v1, v4;
	_ =	sdelay $0x1  }
0x11b: {  	v3 =	vadd.s32 v1, v3;
	_ =	sdelay $0x2  }
0x11c: {  	[tilespmem:s20], [sflag:$0x1] =	stream.indirect_vreg.gather [hbm4b:s1+s3], $0x80, v4, vm0, $0xb8;
	[tilespmem:$0x12000] =	vst v63  }
0x11d: {  	_ = 	snop  }
0x11e: {  	[tilespmem:s21], [sflag:$0x1] =	stream.indirect_vreg.gather [hbm4b:s1+s3], $0x80, v3, vm0, $0xb8;
	[tilespmem:$0x12000] =	vst v63  }
0x11f: {  	v3 =	vld [tilespmem:s16+$0xB0];
	_ =	sdelay $0x4  }
0x120: {  	v63 =	vshll.u32 v3, $0x1  }
0x121: {  	v3 =	vand.u32 $0x7, v3;
	v4 =	vand.u32 $0xFFFFFFF0, v63  }
0x122: {  	v3 =	vor.u32 v3, v4  }
0x123: {  	v4 =	vperm.xlane v3, v0;
	_ =	sdelay $0x1  }
0x124: {  	v3 =	vperm.xlane v3, v2;
	v4 =	vadd.s32 v1, v4;
	_ =	sdelay $0x1  }
0x125: {  	v3 =	vadd.s32 v1, v3  }
.Ltmp5:
0x126: {  	_ = 	snop;
	(pc) =	sbr.rel .LBB2_4-.Ltmp5, $4  }
0x127: {  	_ = 	snop  }
0x128: {  	[tilespmem:s22], [sflag:$0x1] =	stream.indirect_vreg.gather [hbm4b:s1+s3], $0x80, v4, vm0, $0xb8;
	[tilespmem:$0x12000] =	vst v63  }
0x129: {  	_ = 	snop  }
0x12a: {  	[tilespmem:s23], [sflag:$0x1] =	stream.indirect_vreg.gather [hbm4b:s1+s3], $0x80, v3, vm0, $0xb8;
	[tilespmem:$0x12000] =	vst v63  }
.LBB2_6:
0x12b: {  	_ =	sfence.sel $0x180000  }
0x12c: {  	[bflag:$0x0] =	sbarrier.arrive $0xFFFF  }
0x12d: {  	_ =	strace $0x90000047  }
0x12e: {  	s0 =	stileid.u32;
	[bflag:$0x2] =	sbarrier.arrive $0xFFFF  }
0x12f: {  	p0 =	sne.s32 s0, $0x0;
	s0 =	rddreg [dreg:$0x3]  }
0x130: {  	s0 =	sadd.s32 @!p0 $0x100000, s0  }
0x131: {  	[sflag:s0] =	ssyncadd.tile.s32 @!p0 $0x1;
	_ =	shalt  }
.Lfunc_end2:
_tile_overlayer_lowered:
.L_overlay_start_2:
0x132: {  	(tag) =	ssettag $0x2  }
0x133: {  	s0 =	rddreg [dreg:$0x0];
	s2 =	stileid.u32  }
0x134: {  	s1 =	rddreg [dreg:$0x1];
	p0 =	sne.s32 s2, $0x0  }
0x135: {  	s3 =	rddreg [dreg:$0x2];
	[bflag:$0x3] =	sbarrier.arrive $0xFFFF;
	s2 =	simm.s32 @!p0 $0x1C03  }
0x136: {  	[timem:s3], [sflag:s2] =	dma.local @!p0 [hbm:s0], s1  }
0x137: {  	s0 =	simm.s32 @!p0 $0x3  }
0x138: {  	_ =	swait.ge @!p0 [sflag:s0], s1  }
0x139: {  	s1 =	ssub.s32 @!p0 $0x0, s1;
	[sflag:s0] =	ssyncset.done @!p0 $0x0  }
0x13a: {  	[sflag:s0] =	ssyncadd.s32 @!p0 s1  }
0x13b: {  	[bflag:$0x3] =	sbarrier.arrive $0xFFFF  }
0x13c: {  	_ =	shalt  }

</sc_bundles>
